<compile_context>
chip_gen: v7x
topology: tpu7x:2x2x1
jax: 0.10.2.dev20260603
libtpu: 0.0.44.dev20260713+nightly
codegen_flags: <defaults>
</compile_context>

<pallas_src>
import functools

import jax
import jax.numpy as jnp
from jax import lax
from jax.experimental import pallas as pl
from jax.experimental.pallas import tpu as pltpu
from jax.experimental.pallas import tpu_sc as plsc

BATCH = 16384

_info = plsc.get_sparse_core_info()
_NC, _NS = _info.num_cores, _info.num_subcores
_NW = _NC * _NS
_BPW = BATCH // _NW
_CHUNK = 256
_NCHUNK = _BPW // _CHUNK


def _sc_kernel(uidx_hbm, midx_hbm, skill_hbm, diff_hbm, out_hbm,
               uidx_v, midx_v, s_v, d_v, o_v,
               sem_u, sem_m, sem_o, gsems):
    wid = lax.axis_index("s") * _NC + lax.axis_index("c")
    base = wid * _BPW

    cp_u, cp_m = [], []
    for j in range(_NCHUNK):
        sl = pl.ds(j * _CHUNK, _CHUNK)
        cp_u.append(pltpu.async_copy(
            uidx_hbm.at[pl.ds(base + j * _CHUNK, _CHUNK)], uidx_v.at[sl], sem_u.at[j]))
        cp_m.append(pltpu.async_copy(
            midx_hbm.at[pl.ds(base + j * _CHUNK, _CHUNK)], midx_v.at[sl], sem_m.at[j]))

    skill_flat = skill_hbm.at[0]
    diff_flat = diff_hbm.at[0]
    g_u, g_m = [None] * _NCHUNK, [None] * _NCHUNK
    for j in range(_NCHUNK):
        sl = pl.ds(j * _CHUNK, _CHUNK)
        cp_u[j].wait()
        g_u[j] = pltpu.async_copy(skill_flat.at[uidx_v.at[sl]], s_v.at[sl], gsems.at[j])
        cp_m[j].wait()
        g_m[j] = pltpu.async_copy(diff_flat.at[midx_v.at[sl]], d_v.at[sl], gsems.at[j])

    def _sig16(i, j):
        sl = pl.ds(j * _CHUNK + i * 16, 16)
        x = s_v[sl] - d_v[sl]
        o_v[sl] = 1.0 / (1.0 + jnp.exp(-x))
        return j

    out_cps = []
    for j in range(_NCHUNK):
        g_u[j].wait()
        g_m[j].wait()
        lax.fori_loop(0, _CHUNK // 16, _sig16, j, unroll=4)
        sl = pl.ds(j * _CHUNK, _CHUNK)
        out_cps.append(pltpu.async_copy(
            o_v.at[sl], out_hbm.at[pl.ds(base + j * _CHUNK, _CHUNK)], sem_o))
    for cp in out_cps:
        cp.wait()


@jax.jit
def kernel(user_idx, map_idx, user_skill, map_diff):
    skill2 = user_skill.reshape(1, -1)
    diff2 = map_diff.reshape(1, -1)
    mesh = plsc.VectorSubcoreMesh(core_axis_name="c", subcore_axis_name="s")
    run = functools.partial(
        pl.kernel,
        mesh=mesh,
        out_type=jax.ShapeDtypeStruct((BATCH,), jnp.float32),
        scratch_types=[
            pltpu.VMEM((_BPW,), jnp.int32),
            pltpu.VMEM((_BPW,), jnp.int32),
            pltpu.VMEM((_BPW,), jnp.float32),
            pltpu.VMEM((_BPW,), jnp.float32),
            pltpu.VMEM((_BPW,), jnp.float32),
            pltpu.SemaphoreType.DMA((_NCHUNK,)),
            pltpu.SemaphoreType.DMA((_NCHUNK,)),
            pltpu.SemaphoreType.DMA,
            pltpu.SemaphoreType.DMA((_NCHUNK,)),
        ],
    )(_sc_kernel)
    return run(user_idx, map_idx, skill2, diff2)

# --- scband reference (transcript-rebuilt; emitter-appended) ---
"""Pipeline reference for scband-scalar-model-79637283603123 (READ-ONLY COPY).

The authoritative reference and input builder live on the scoring server;
editing this copy changes nothing except your own understanding.
"""

import jax, jax.numpy as jnp
import numpy as np

NUM_USERS = 1000000
NUM_MAPS = 100000
BATCH = 16384

def setup_inputs(seed: int = 0) -> dict:
    key = jax.random.key(seed)
    k1, k2, k3, k4 = jax.random.split(key, 4)
    user_idx = jax.random.randint(k1, (BATCH,), 0, NUM_USERS, dtype=jnp.int64 if jax.config.jax_enable_x64 else jnp.int32).astype(jnp.int32)
    map_idx = jax.random.randint(k2, (BATCH,), 0, NUM_MAPS, dtype=jnp.int32)
    user_skill = jax.random.normal(k3, (NUM_USERS, 1), dtype=jnp.float32) * 0.1
    map_diff = jax.random.normal(k4, (NUM_MAPS, 1), dtype=jnp.float32) * 0.1
    return {"user_idx": user_idx, "map_idx": map_idx, "user_skill": user_skill, "map_diff": map_diff}

def reference(user_idx, map_idx, user_skill, map_diff):
    # s = self.user_skill(user_idx).squeeze()
    s = jnp.take(user_skill, user_idx, axis=0).squeeze(-1)
    # d = self.map_diff(map_idx).squeeze()
    d = jnp.take(map_diff, map_idx, axis=0).squeeze(-1)
    logits = s - d
    return jax.nn.sigmoid(logits)

if __name__ == "__main__":
    import jax
    _d = setup_inputs()
    print(jax.jit(kernel)(*tuple(_d.values())))

</pallas_src>

<mosaic_0001>
#map = affine_map<(d0, d1) -> (0)>
#map1 = affine_map<(d0, d1) -> (0, 0)>
module attributes {stable_mosaic.version = 14 : i64} {
  func.func @_sc_kernel(%arg0: i32, %arg1: i32, %arg2: memref<16384xi32, #tpu.memory_space<hbm>>, %arg3: memref<16384xi32, #tpu.memory_space<hbm>>, %arg4: memref<1x1000000xf32, #tpu.memory_space<hbm>>, %arg5: memref<1x100000xf32, #tpu.memory_space<hbm>>, %arg6: memref<16384xf32, #tpu.memory_space<hbm>>, %arg7: memref<512xi32, #tpu.memory_space<vmem>>, %arg8: memref<512xi32, #tpu.memory_space<vmem>>, %arg9: memref<512xf32, #tpu.memory_space<vmem>>, %arg10: memref<512xf32, #tpu.memory_space<vmem>>, %arg11: memref<512xf32, #tpu.memory_space<vmem>>, %arg12: memref<2x!tpu.dma_semaphore, #tpu.memory_space<semaphore_mem>>, %arg13: memref<2x!tpu.dma_semaphore, #tpu.memory_space<semaphore_mem>>, %arg14: memref<!tpu.dma_semaphore, #tpu.memory_space<semaphore_mem>>, %arg15: memref<2x!tpu.dma_semaphore, #tpu.memory_space<semaphore_mem>>) attributes {dimension_semantics = [#tpu.dimension_semantics<core_parallel>, #tpu.dimension_semantics<subcore_parallel>], iteration_bounds = array<i64: 2, 16>, scalar_prefetch = 0 : i64, scratch_operands = 9 : i64, tpu.core_type = #tpu.core_type<sc_vector_subcore>, window_params = [{transform_indices = #map}, {transform_indices = #map}, {transform_indices = #map1}, {transform_indices = #map1}, {transform_indices = #map}]} {
    %mul3A = arith.constant 2 : i32
    %mul3A_0 = arith.muli %arg1, %mul3A : i32
    %add3A = arith.addi %mul3A_0, %arg0 : i32
    %mul3A_1 = arith.constant 512 : i32
    %mul3A_2 = arith.muli %add3A, %mul3A_1 : i32
    %add3A_3 = arith.constant 0 : i32
    %add3A_4 = arith.addi %mul3A_2, %add3A_3 : i32
    %dma_start3A = arith.constant 0 : i32
    %dma_start3A_5 = arith.constant 0 : i32
    %dma_start3A_6 = tpu.memref_slice %arg7[%dma_start3A_5] : memref<512xi32, #tpu.memory_space<vmem>> -> memref<256xi32, #tpu.memory_space<vmem>>
    %dma_start3A_7 = tpu.memref_slice %arg2[%add3A_4] : memref<16384xi32, #tpu.memory_space<hbm>> -> memref<256xi32, #tpu.memory_space<hbm>>
    %dma_start3A_8 = tpu.memref_slice %arg12[%dma_start3A] : memref<2x!tpu.dma_semaphore, #tpu.memory_space<semaphore_mem>> -> memref<1x!tpu.dma_semaphore, #tpu.memory_space<semaphore_mem>>
    %dma_start3A_9 = tpu.memref_squeeze %dma_start3A_8 : memref<1x!tpu.dma_semaphore, #tpu.memory_space<semaphore_mem>> -> memref<!tpu.dma_semaphore, #tpu.memory_space<semaphore_mem>>
    %dma_start3A_10 = arith.constant 0 : i32
    %dma_start3A_11 = tpu.memref_slice %arg7[%dma_start3A_10] : memref<512xi32, #tpu.memory_space<vmem>> -> memref<256xi32, #tpu.memory_space<vmem>>
    %dma_start3A_12 = tpu.memref_slice %arg2[%add3A_4] : memref<16384xi32, #tpu.memory_space<hbm>> -> memref<256xi32, #tpu.memory_space<hbm>>
    tpu.enqueue_dma source(%dma_start3A_12 : memref<256xi32, #tpu.memory_space<hbm>>) target(%dma_start3A_11 : memref<256xi32, #tpu.memory_space<vmem>>) target_semaphore(%dma_start3A_9 : memref<!tpu.dma_semaphore, #tpu.memory_space<semaphore_mem>>)
    %add3A_13 = arith.constant 0 : i32
    %add3A_14 = arith.addi %mul3A_2, %add3A_13 : i32
    %dma_start3A_15 = arith.constant 0 : i32
    %dma_start3A_16 = arith.constant 0 : i32
    %dma_start3A_17 = tpu.memref_slice %arg8[%dma_start3A_16] : memref<512xi32, #tpu.memory_space<vmem>> -> memref<256xi32, #tpu.memory_space<vmem>>
    %dma_start3A_18 = tpu.memref_slice %arg3[%add3A_14] : memref<16384xi32, #tpu.memory_space<hbm>> -> memref<256xi32, #tpu.memory_space<hbm>>
    %dma_start3A_19 = tpu.memref_slice %arg13[%dma_start3A_15] : memref<2x!tpu.dma_semaphore, #tpu.memory_space<semaphore_mem>> -> memref<1x!tpu.dma_semaphore, #tpu.memory_space<semaphore_mem>>
    %dma_start3A_20 = tpu.memref_squeeze %dma_start3A_19 : memref<1x!tpu.dma_semaphore, #tpu.memory_space<semaphore_mem>> -> memref<!tpu.dma_semaphore, #tpu.memory_space<semaphore_mem>>
    %dma_start3A_21 = arith.constant 0 : i32
    %dma_start3A_22 = tpu.memref_slice %arg8[%dma_start3A_21] : memref<512xi32, #tpu.memory_space<vmem>> -> memref<256xi32, #tpu.memory_space<vmem>>
    %dma_start3A_23 = tpu.memref_slice %arg3[%add3A_14] : memref<16384xi32, #tpu.memory_space<hbm>> -> memref<256xi32, #tpu.memory_space<hbm>>
    tpu.enqueue_dma source(%dma_start3A_23 : memref<256xi32, #tpu.memory_space<hbm>>) target(%dma_start3A_22 : memref<256xi32, #tpu.memory_space<vmem>>) target_semaphore(%dma_start3A_20 : memref<!tpu.dma_semaphore, #tpu.memory_space<semaphore_mem>>)
    %add3A_24 = arith.constant 256 : i32
    %add3A_25 = arith.addi %mul3A_2, %add3A_24 : i32
    %dma_start3A_26 = arith.constant 1 : i32
    %dma_start3A_27 = arith.constant 256 : i32
    %dma_start3A_28 = tpu.memref_slice %arg7[%dma_start3A_27] : memref<512xi32, #tpu.memory_space<vmem>> -> memref<256xi32, #tpu.memory_space<vmem>>
    %dma_start3A_29 = tpu.memref_slice %arg2[%add3A_25] : memref<16384xi32, #tpu.memory_space<hbm>> -> memref<256xi32, #tpu.memory_space<hbm>>
    %dma_start3A_30 = tpu.memref_slice %arg12[%dma_start3A_26] : memref<2x!tpu.dma_semaphore, #tpu.memory_space<semaphore_mem>> -> memref<1x!tpu.dma_semaphore, #tpu.memory_space<semaphore_mem>>
    %dma_start3A_31 = tpu.memref_squeeze %dma_start3A_30 : memref<1x!tpu.dma_semaphore, #tpu.memory_space<semaphore_mem>> -> memref<!tpu.dma_semaphore, #tpu.memory_space<semaphore_mem>>
    %dma_start3A_32 = arith.constant 256 : i32
    %dma_start3A_33 = tpu.memref_slice %arg7[%dma_start3A_32] : memref<512xi32, #tpu.memory_space<vmem>> -> memref<256xi32, #tpu.memory_space<vmem>>
    %dma_start3A_34 = tpu.memref_slice %arg2[%add3A_25] : memref<16384xi32, #tpu.memory_space<hbm>> -> memref<256xi32, #tpu.memory_space<hbm>>
    tpu.enqueue_dma source(%dma_start3A_34 : memref<256xi32, #tpu.memory_space<hbm>>) target(%dma_start3A_33 : memref<256xi32, #tpu.memory_space<vmem>>) target_semaphore(%dma_start3A_31 : memref<!tpu.dma_semaphore, #tpu.memory_space<semaphore_mem>>)
    %add3A_35 = arith.constant 256 : i32
    %add3A_36 = arith.addi %mul3A_2, %add3A_35 : i32
    %dma_start3A_37 = arith.constant 1 : i32
    %dma_start3A_38 = arith.constant 256 : i32
    %dma_start3A_39 = tpu.memref_slice %arg8[%dma_start3A_38] : memref<512xi32, #tpu.memory_space<vmem>> -> memref<256xi32, #tpu.memory_space<vmem>>
    %dma_start3A_40 = tpu.memref_slice %arg3[%add3A_36] : memref<16384xi32, #tpu.memory_space<hbm>> -> memref<256xi32, #tpu.memory_space<hbm>>
    %dma_start3A_41 = tpu.memref_slice %arg13[%dma_start3A_37] : memref<2x!tpu.dma_semaphore, #tpu.memory_space<semaphore_mem>> -> memref<1x!tpu.dma_semaphore, #tpu.memory_space<semaphore_mem>>
    %dma_start3A_42 = tpu.memref_squeeze %dma_start3A_41 : memref<1x!tpu.dma_semaphore, #tpu.memory_space<semaphore_mem>> -> memref<!tpu.dma_semaphore, #tpu.memory_space<semaphore_mem>>
    %dma_start3A_43 = arith.constant 256 : i32
    %dma_start3A_44 = tpu.memref_slice %arg8[%dma_start3A_43] : memref<512xi32, #tpu.memory_space<vmem>> -> memref<256xi32, #tpu.memory_space<vmem>>
    %dma_start3A_45 = tpu.memref_slice %arg3[%add3A_36] : memref<16384xi32, #tpu.memory_space<hbm>> -> memref<256xi32, #tpu.memory_space<hbm>>
    tpu.enqueue_dma source(%dma_start3A_45 : memref<256xi32, #tpu.memory_space<hbm>>) target(%dma_start3A_44 : memref<256xi32, #tpu.memory_space<vmem>>) target_semaphore(%dma_start3A_42 : memref<!tpu.dma_semaphore, #tpu.memory_space<semaphore_mem>>)
    %dma_wait3A = arith.constant 0 : i32
    %dma_wait3A_46 = arith.constant 0 : i32
    %dma_wait3A_47 = tpu.memref_slice %arg7[%dma_wait3A_46] : memref<512xi32, #tpu.memory_space<vmem>> -> memref<256xi32, #tpu.memory_space<vmem>>
    %dma_wait3A_48 = tpu.memref_slice %arg2[%add3A_4] : memref<16384xi32, #tpu.memory_space<hbm>> -> memref<256xi32, #tpu.memory_space<hbm>>
    %dma_wait3A_49 = tpu.memref_slice %arg12[%dma_wait3A] : memref<2x!tpu.dma_semaphore, #tpu.memory_space<semaphore_mem>> -> memref<1x!tpu.dma_semaphore, #tpu.memory_space<semaphore_mem>>
    %dma_wait3A_50 = tpu.memref_squeeze %dma_wait3A_49 : memref<1x!tpu.dma_semaphore, #tpu.memory_space<semaphore_mem>> -> memref<!tpu.dma_semaphore, #tpu.memory_space<semaphore_mem>>
    %dma_wait3A_51 = arith.constant 0 : i32
    %dma_wait3A_52 = tpu.memref_slice %arg7[%dma_wait3A_51] : memref<512xi32, #tpu.memory_space<vmem>> -> memref<256xi32, #tpu.memory_space<vmem>>
    %dma_wait3A_53 = tpu.memref_slice %arg2[%add3A_4] : memref<16384xi32, #tpu.memory_space<hbm>> -> memref<256xi32, #tpu.memory_space<hbm>>
    tpu.wait_dma2 semaphore(%dma_wait3A_50 : memref<!tpu.dma_semaphore, #tpu.memory_space<semaphore_mem>>) src(%dma_wait3A_53 : memref<256xi32, #tpu.memory_space<hbm>>) dst(%dma_wait3A_52 : memref<256xi32, #tpu.memory_space<vmem>>)
    %dma_start3A_54 = arith.constant 0 : i32
    %dma_start3A_55 = arith.constant 0 : i32
    %dma_start3A_56 = arith.constant 0 : i32
    %dma_start3A_57 = tpu.memref_slice %arg9[%dma_start3A_56] : memref<512xf32, #tpu.memory_space<vmem>> -> memref<256xf32, #tpu.memory_space<vmem>>
    %dma_start3A_58 = arith.constant 0 : i32
    %dma_start3A_59 = tpu.memref_slice %arg7[%dma_start3A_58] : memref<512xi32, #tpu.memory_space<vmem>> -> memref<256xi32, #tpu.memory_space<vmem>>
    %dma_start3A_60 = arith.constant 0 : i32
    %dma_start3A_61 = tpu.memref_slice %arg4[%dma_start3A_54, %dma_start3A_60] : memref<1x1000000xf32, #tpu.memory_space<hbm>> -> memref<1x1000000xf32, #tpu.memory_space<hbm>>
    %dma_start3A_62 = tpu.memref_squeeze %dma_start3A_61 : memref<1x1000000xf32, #tpu.memory_space<hbm>> -> memref<1000000xf32, #tpu.memory_space<hbm>>
    %dma_start3A_63 = arith.constant 0 : i32
    %dma_start3A_64 = tpu.memref_slice %dma_start3A_62[%dma_start3A_63] : memref<1000000xf32, #tpu.memory_space<hbm>> -> memref<1000000xf32, #tpu.memory_space<hbm>>
    %dma_start3A_65 = tpu.memref_slice %arg15[%dma_start3A_55] : memref<2x!tpu.dma_semaphore, #tpu.memory_space<semaphore_mem>> -> memref<1x!tpu.dma_semaphore, #tpu.memory_space<semaphore_mem>>
    %dma_start3A_66 = tpu.memref_squeeze %dma_start3A_65 : memref<1x!tpu.dma_semaphore, #tpu.memory_space<semaphore_mem>> -> memref<!tpu.dma_semaphore, #tpu.memory_space<semaphore_mem>>
    tpu.enqueue_indirect_dma source(%dma_start3A_64 : memref<1000000xf32, #tpu.memory_space<hbm>>) target(%dma_start3A_57 : memref<256xf32, #tpu.memory_space<vmem>>) offsets(%dma_start3A_59 : memref<256xi32, #tpu.memory_space<vmem>>) semaphore(%dma_start3A_66 : memref<!tpu.dma_semaphore, #tpu.memory_space<semaphore_mem>>)
    %dma_wait3A_67 = arith.constant 0 : i32
    %dma_wait3A_68 = arith.constant 0 : i32
    %dma_wait3A_69 = tpu.memref_slice %arg8[%dma_wait3A_68] : memref<512xi32, #tpu.memory_space<vmem>> -> memref<256xi32, #tpu.memory_space<vmem>>
    %dma_wait3A_70 = tpu.memref_slice %arg3[%add3A_14] : memref<16384xi32, #tpu.memory_space<hbm>> -> memref<256xi32, #tpu.memory_space<hbm>>
    %dma_wait3A_71 = tpu.memref_slice %arg13[%dma_wait3A_67] : memref<2x!tpu.dma_semaphore, #tpu.memory_space<semaphore_mem>> -> memref<1x!tpu.dma_semaphore, #tpu.memory_space<semaphore_mem>>
    %dma_wait3A_72 = tpu.memref_squeeze %dma_wait3A_71 : memref<1x!tpu.dma_semaphore, #tpu.memory_space<semaphore_mem>> -> memref<!tpu.dma_semaphore, #tpu.memory_space<semaphore_mem>>
    %dma_wait3A_73 = arith.constant 0 : i32
    %dma_wait3A_74 = tpu.memref_slice %arg8[%dma_wait3A_73] : memref<512xi32, #tpu.memory_space<vmem>> -> memref<256xi32, #tpu.memory_space<vmem>>
    %dma_wait3A_75 = tpu.memref_slice %arg3[%add3A_14] : memref<16384xi32, #tpu.memory_space<hbm>> -> memref<256xi32, #tpu.memory_space<hbm>>
    tpu.wait_dma2 semaphore(%dma_wait3A_72 : memref<!tpu.dma_semaphore, #tpu.memory_space<semaphore_mem>>) src(%dma_wait3A_75 : memref<256xi32, #tpu.memory_space<hbm>>) dst(%dma_wait3A_74 : memref<256xi32, #tpu.memory_space<vmem>>)
    %dma_start3A_76 = arith.constant 0 : i32
    %dma_start3A_77 = arith.constant 0 : i32
    %dma_start3A_78 = arith.constant 0 : i32
    %dma_start3A_79 = tpu.memref_slice %arg10[%dma_start3A_78] : memref<512xf32, #tpu.memory_space<vmem>> -> memref<256xf32, #tpu.memory_space<vmem>>
    %dma_start3A_80 = arith.constant 0 : i32
    %dma_start3A_81 = tpu.memref_slice %arg8[%dma_start3A_80] : memref<512xi32, #tpu.memory_space<vmem>> -> memref<256xi32, #tpu.memory_space<vmem>>
    %dma_start3A_82 = arith.constant 0 : i32
    %dma_start3A_83 = tpu.memref_slice %arg5[%dma_start3A_76, %dma_start3A_82] : memref<1x100000xf32, #tpu.memory_space<hbm>> -> memref<1x100000xf32, #tpu.memory_space<hbm>>
    %dma_start3A_84 = tpu.memref_squeeze %dma_start3A_83 : memref<1x100000xf32, #tpu.memory_space<hbm>> -> memref<100000xf32, #tpu.memory_space<hbm>>
    %dma_start3A_85 = arith.constant 0 : i32
    %dma_start3A_86 = tpu.memref_slice %dma_start3A_84[%dma_start3A_85] : memref<100000xf32, #tpu.memory_space<hbm>> -> memref<100000xf32, #tpu.memory_space<hbm>>
    %dma_start3A_87 = tpu.memref_slice %arg15[%dma_start3A_77] : memref<2x!tpu.dma_semaphore, #tpu.memory_space<semaphore_mem>> -> memref<1x!tpu.dma_semaphore, #tpu.memory_space<semaphore_mem>>
    %dma_start3A_88 = tpu.memref_squeeze %dma_start3A_87 : memref<1x!tpu.dma_semaphore, #tpu.memory_space<semaphore_mem>> -> memref<!tpu.dma_semaphore, #tpu.memory_space<semaphore_mem>>
    tpu.enqueue_indirect_dma source(%dma_start3A_86 : memref<100000xf32, #tpu.memory_space<hbm>>) target(%dma_start3A_79 : memref<256xf32, #tpu.memory_space<vmem>>) offsets(%dma_start3A_81 : memref<256xi32, #tpu.memory_space<vmem>>) semaphore(%dma_start3A_88 : memref<!tpu.dma_semaphore, #tpu.memory_space<semaphore_mem>>)
    %dma_wait3A_89 = arith.constant 1 : i32
    %dma_wait3A_90 = arith.constant 256 : i32
    %dma_wait3A_91 = tpu.memref_slice %arg7[%dma_wait3A_90] : memref<512xi32, #tpu.memory_space<vmem>> -> memref<256xi32, #tpu.memory_space<vmem>>
    %dma_wait3A_92 = tpu.memref_slice %arg2[%add3A_25] : memref<16384xi32, #tpu.memory_space<hbm>> -> memref<256xi32, #tpu.memory_space<hbm>>
    %dma_wait3A_93 = tpu.memref_slice %arg12[%dma_wait3A_89] : memref<2x!tpu.dma_semaphore, #tpu.memory_space<semaphore_mem>> -> memref<1x!tpu.dma_semaphore, #tpu.memory_space<semaphore_mem>>
    %dma_wait3A_94 = tpu.memref_squeeze %dma_wait3A_93 : memref<1x!tpu.dma_semaphore, #tpu.memory_space<semaphore_mem>> -> memref<!tpu.dma_semaphore, #tpu.memory_space<semaphore_mem>>
    %dma_wait3A_95 = arith.constant 256 : i32
    %dma_wait3A_96 = tpu.memref_slice %arg7[%dma_wait3A_95] : memref<512xi32, #tpu.memory_space<vmem>> -> memref<256xi32, #tpu.memory_space<vmem>>
    %dma_wait3A_97 = tpu.memref_slice %arg2[%add3A_25] : memref<16384xi32, #tpu.memory_space<hbm>> -> memref<256xi32, #tpu.memory_space<hbm>>
    tpu.wait_dma2 semaphore(%dma_wait3A_94 : memref<!tpu.dma_semaphore, #tpu.memory_space<semaphore_mem>>) src(%dma_wait3A_97 : memref<256xi32, #tpu.memory_space<hbm>>) dst(%dma_wait3A_96 : memref<256xi32, #tpu.memory_space<vmem>>)
    %dma_start3A_98 = arith.constant 0 : i32
    %dma_start3A_99 = arith.constant 1 : i32
    %dma_start3A_100 = arith.constant 256 : i32
    %dma_start3A_101 = tpu.memref_slice %arg9[%dma_start3A_100] : memref<512xf32, #tpu.memory_space<vmem>> -> memref<256xf32, #tpu.memory_space<vmem>>
    %dma_start3A_102 = arith.constant 256 : i32
    %dma_start3A_103 = tpu.memref_slice %arg7[%dma_start3A_102] : memref<512xi32, #tpu.memory_space<vmem>> -> memref<256xi32, #tpu.memory_space<vmem>>
    %dma_start3A_104 = arith.constant 0 : i32
    %dma_start3A_105 = tpu.memref_slice %arg4[%dma_start3A_98, %dma_start3A_104] : memref<1x1000000xf32, #tpu.memory_space<hbm>> -> memref<1x1000000xf32, #tpu.memory_space<hbm>>
    %dma_start3A_106 = tpu.memref_squeeze %dma_start3A_105 : memref<1x1000000xf32, #tpu.memory_space<hbm>> -> memref<1000000xf32, #tpu.memory_space<hbm>>
    %dma_start3A_107 = arith.constant 0 : i32
    %dma_start3A_108 = tpu.memref_slice %dma_start3A_106[%dma_start3A_107] : memref<1000000xf32, #tpu.memory_space<hbm>> -> memref<1000000xf32, #tpu.memory_space<hbm>>
    %dma_start3A_109 = tpu.memref_slice %arg15[%dma_start3A_99] : memref<2x!tpu.dma_semaphore, #tpu.memory_space<semaphore_mem>> -> memref<1x!tpu.dma_semaphore, #tpu.memory_space<semaphore_mem>>
    %dma_start3A_110 = tpu.memref_squeeze %dma_start3A_109 : memref<1x!tpu.dma_semaphore, #tpu.memory_space<semaphore_mem>> -> memref<!tpu.dma_semaphore, #tpu.memory_space<semaphore_mem>>
    tpu.enqueue_indirect_dma source(%dma_start3A_108 : memref<1000000xf32, #tpu.memory_space<hbm>>) target(%dma_start3A_101 : memref<256xf32, #tpu.memory_space<vmem>>) offsets(%dma_start3A_103 : memref<256xi32, #tpu.memory_space<vmem>>) semaphore(%dma_start3A_110 : memref<!tpu.dma_semaphore, #tpu.memory_space<semaphore_mem>>)
    %dma_wait3A_111 = arith.constant 1 : i32
    %dma_wait3A_112 = arith.constant 256 : i32
    %dma_wait3A_113 = tpu.memref_slice %arg8[%dma_wait3A_112] : memref<512xi32, #tpu.memory_space<vmem>> -> memref<256xi32, #tpu.memory_space<vmem>>
    %dma_wait3A_114 = tpu.memref_slice %arg3[%add3A_36] : memref<16384xi32, #tpu.memory_space<hbm>> -> memref<256xi32, #tpu.memory_space<hbm>>
    %dma_wait3A_115 = tpu.memref_slice %arg13[%dma_wait3A_111] : memref<2x!tpu.dma_semaphore, #tpu.memory_space<semaphore_mem>> -> memref<1x!tpu.dma_semaphore, #tpu.memory_space<semaphore_mem>>
    %dma_wait3A_116 = tpu.memref_squeeze %dma_wait3A_115 : memref<1x!tpu.dma_semaphore, #tpu.memory_space<semaphore_mem>> -> memref<!tpu.dma_semaphore, #tpu.memory_space<semaphore_mem>>
    %dma_wait3A_117 = arith.constant 256 : i32
    %dma_wait3A_118 = tpu.memref_slice %arg8[%dma_wait3A_117] : memref<512xi32, #tpu.memory_space<vmem>> -> memref<256xi32, #tpu.memory_space<vmem>>
    %dma_wait3A_119 = tpu.memref_slice %arg3[%add3A_36] : memref<16384xi32, #tpu.memory_space<hbm>> -> memref<256xi32, #tpu.memory_space<hbm>>
    tpu.wait_dma2 semaphore(%dma_wait3A_116 : memref<!tpu.dma_semaphore, #tpu.memory_space<semaphore_mem>>) src(%dma_wait3A_119 : memref<256xi32, #tpu.memory_space<hbm>>) dst(%dma_wait3A_118 : memref<256xi32, #tpu.memory_space<vmem>>)
    %dma_start3A_120 = arith.constant 0 : i32
    %dma_start3A_121 = arith.constant 1 : i32
    %dma_start3A_122 = arith.constant 256 : i32
    %dma_start3A_123 = tpu.memref_slice %arg10[%dma_start3A_122] : memref<512xf32, #tpu.memory_space<vmem>> -> memref<256xf32, #tpu.memory_space<vmem>>
    %dma_start3A_124 = arith.constant 256 : i32
    %dma_start3A_125 = tpu.memref_slice %arg8[%dma_start3A_124] : memref<512xi32, #tpu.memory_space<vmem>> -> memref<256xi32, #tpu.memory_space<vmem>>
    %dma_start3A_126 = arith.constant 0 : i32
    %dma_start3A_127 = tpu.memref_slice %arg5[%dma_start3A_120, %dma_start3A_126] : memref<1x100000xf32, #tpu.memory_space<hbm>> -> memref<1x100000xf32, #tpu.memory_space<hbm>>
    %dma_start3A_128 = tpu.memref_squeeze %dma_start3A_127 : memref<1x100000xf32, #tpu.memory_space<hbm>> -> memref<100000xf32, #tpu.memory_space<hbm>>
    %dma_start3A_129 = arith.constant 0 : i32
    %dma_start3A_130 = tpu.memref_slice %dma_start3A_128[%dma_start3A_129] : memref<100000xf32, #tpu.memory_space<hbm>> -> memref<100000xf32, #tpu.memory_space<hbm>>
    %dma_start3A_131 = tpu.memref_slice %arg15[%dma_start3A_121] : memref<2x!tpu.dma_semaphore, #tpu.memory_space<semaphore_mem>> -> memref<1x!tpu.dma_semaphore, #tpu.memory_space<semaphore_mem>>
    %dma_start3A_132 = tpu.memref_squeeze %dma_start3A_131 : memref<1x!tpu.dma_semaphore, #tpu.memory_space<semaphore_mem>> -> memref<!tpu.dma_semaphore, #tpu.memory_space<semaphore_mem>>
    tpu.enqueue_indirect_dma source(%dma_start3A_130 : memref<100000xf32, #tpu.memory_space<hbm>>) target(%dma_start3A_123 : memref<256xf32, #tpu.memory_space<vmem>>) offsets(%dma_start3A_125 : memref<256xi32, #tpu.memory_space<vmem>>) semaphore(%dma_start3A_132 : memref<!tpu.dma_semaphore, #tpu.memory_space<semaphore_mem>>)
    %dma_wait3A_133 = arith.constant 0 : i32
    %dma_wait3A_134 = arith.constant 0 : i32
    %dma_wait3A_135 = arith.constant 0 : i32
    %dma_wait3A_136 = tpu.memref_slice %arg9[%dma_wait3A_135] : memref<512xf32, #tpu.memory_space<vmem>> -> memref<256xf32, #tpu.memory_space<vmem>>
    %dma_wait3A_137 = arith.constant 0 : i32
    %dma_wait3A_138 = tpu.memref_slice %arg7[%dma_wait3A_137] : memref<512xi32, #tpu.memory_space<vmem>> -> memref<256xi32, #tpu.memory_space<vmem>>
    %dma_wait3A_139 = arith.constant 0 : i32
    %dma_wait3A_140 = tpu.memref_slice %arg4[%dma_wait3A_133, %dma_wait3A_139] : memref<1x1000000xf32, #tpu.memory_space<hbm>> -> memref<1x1000000xf32, #tpu.memory_space<hbm>>
    %dma_wait3A_141 = tpu.memref_squeeze %dma_wait3A_140 : memref<1x1000000xf32, #tpu.memory_space<hbm>> -> memref<1000000xf32, #tpu.memory_space<hbm>>
    %dma_wait3A_142 = arith.constant 0 : i32
    %dma_wait3A_143 = tpu.memref_slice %dma_wait3A_141[%dma_wait3A_142] : memref<1000000xf32, #tpu.memory_space<hbm>> -> memref<1000000xf32, #tpu.memory_space<hbm>>
    %dma_wait3A_144 = tpu.memref_slice %arg15[%dma_wait3A_134] : memref<2x!tpu.dma_semaphore, #tpu.memory_space<semaphore_mem>> -> memref<1x!tpu.dma_semaphore, #tpu.memory_space<semaphore_mem>>
    %dma_wait3A_145 = tpu.memref_squeeze %dma_wait3A_144 : memref<1x!tpu.dma_semaphore, #tpu.memory_space<semaphore_mem>> -> memref<!tpu.dma_semaphore, #tpu.memory_space<semaphore_mem>>
    tpu.wait_indirect_dma semaphore(%dma_wait3A_145 : memref<!tpu.dma_semaphore, #tpu.memory_space<semaphore_mem>>) src(%dma_wait3A_143 : memref<1000000xf32, #tpu.memory_space<hbm>>) dst(%dma_wait3A_136 : memref<256xf32, #tpu.memory_space<vmem>>)
    %dma_wait3A_146 = arith.constant 0 : i32
    %dma_wait3A_147 = arith.constant 0 : i32
    %dma_wait3A_148 = arith.constant 0 : i32
    %dma_wait3A_149 = tpu.memref_slice %arg10[%dma_wait3A_148] : memref<512xf32, #tpu.memory_space<vmem>> -> memref<256xf32, #tpu.memory_space<vmem>>
    %dma_wait3A_150 = arith.constant 0 : i32
    %dma_wait3A_151 = tpu.memref_slice %arg8[%dma_wait3A_150] : memref<512xi32, #tpu.memory_space<vmem>> -> memref<256xi32, #tpu.memory_space<vmem>>
    %dma_wait3A_152 = arith.constant 0 : i32
    %dma_wait3A_153 = tpu.memref_slice %arg5[%dma_wait3A_146, %dma_wait3A_152] : memref<1x100000xf32, #tpu.memory_space<hbm>> -> memref<1x100000xf32, #tpu.memory_space<hbm>>
    %dma_wait3A_154 = tpu.memref_squeeze %dma_wait3A_153 : memref<1x100000xf32, #tpu.memory_space<hbm>> -> memref<100000xf32, #tpu.memory_space<hbm>>
    %dma_wait3A_155 = arith.constant 0 : i32
    %dma_wait3A_156 = tpu.memref_slice %dma_wait3A_154[%dma_wait3A_155] : memref<100000xf32, #tpu.memory_space<hbm>> -> memref<100000xf32, #tpu.memory_space<hbm>>
    %dma_wait3A_157 = tpu.memref_slice %arg15[%dma_wait3A_147] : memref<2x!tpu.dma_semaphore, #tpu.memory_space<semaphore_mem>> -> memref<1x!tpu.dma_semaphore, #tpu.memory_space<semaphore_mem>>
    %dma_wait3A_158 = tpu.memref_squeeze %dma_wait3A_157 : memref<1x!tpu.dma_semaphore, #tpu.memory_space<semaphore_mem>> -> memref<!tpu.dma_semaphore, #tpu.memory_space<semaphore_mem>>
    tpu.wait_indirect_dma semaphore(%dma_wait3A_158 : memref<!tpu.dma_semaphore, #tpu.memory_space<semaphore_mem>>) src(%dma_wait3A_156 : memref<100000xf32, #tpu.memory_space<hbm>>) dst(%dma_wait3A_149 : memref<256xf32, #tpu.memory_space<vmem>>)
    %scan3A = arith.constant 0 : i32
    %scan3A_159 = arith.constant 0 : i32
    %scan3A_160 = arith.constant 16 : i32
    %scan3A_161 = arith.addi %scan3A_159, %scan3A_160 : i32
    %scan3A_162 = arith.constant 4 : i32
    scf.for %scan3A_224 = %scan3A_159 to %scan3A_161 step %scan3A_162  : i32 {
      %mul3A_225 = arith.constant 256 : i32
      %mul3A_226 = arith.muli %scan3A, %mul3A_225 : i32
      %mul3A_227 = arith.constant 16 : i32
      %mul3A_228 = arith.muli %scan3A_224, %mul3A_227 : i32
      %add3A_229 = arith.addi %mul3A_226, %mul3A_228 : i32
      %get3A = arith.index_cast %add3A_229 : i32 to index
      %get3A_230 = tpu.vector_load %arg9[%get3A] {strides = array<i32>} : memref<512xf32, #tpu.memory_space<vmem>>, vector<16xf32>,
      %get3A_231 = vector.shape_cast %get3A_230 : vector<16xf32> to vector<16xf32>
      %get3A_232 = arith.index_cast %add3A_229 : i32 to index
      %get3A_233 = tpu.vector_load %arg10[%get3A_232] {strides = array<i32>} : memref<512xf32, #tpu.memory_space<vmem>>, vector<16xf32>,
      %get3A_234 = vector.shape_cast %get3A_233 : vector<16xf32> to vector<16xf32>
      %sub3A = arith.subf %get3A_231, %get3A_234 : vector<16xf32>
      %neg3A = arith.constant 0.000000e+00 : f32
      %neg3A_235 = vector.broadcast %neg3A : f32 to vector<16xf32>
      %neg3A_236 = arith.subf %neg3A_235, %sub3A : vector<16xf32>
      %exp3A = math.exp %neg3A_236 : vector<16xf32>
      %add3A_237 = arith.constant 1.000000e+00 : f32
      %add3A_238 = vector.broadcast %add3A_237 : f32 to vector<16xf32>
      %add3A_239 = arith.addf %add3A_238, %exp3A : vector<16xf32>
      %div3A = arith.constant 1.000000e+00 : f32
      %div3A_240 = vector.broadcast %div3A : f32 to vector<16xf32>
      %div3A_241 = arith.divf %div3A_240, %add3A_239 : vector<16xf32>
      %swap3A = arith.index_cast %add3A_229 : i32 to index
      %swap3A_242 = tpu.vector_load %arg11[%swap3A] {strides = array<i32>} : memref<512xf32, #tpu.memory_space<vmem>>, vector<16xf32>,
      %swap3A_243 = vector.shape_cast %swap3A_242 : vector<16xf32> to vector<16xf32>
      %swap3A_244 = vector.shape_cast %div3A_241 : vector<16xf32> to vector<16xf32>
      tpu.vector_store %arg11[%swap3A], %swap3A_244 {strides = array<i32>} : memref<512xf32, #tpu.memory_space<vmem>>, vector<16xf32>,
      %scan3A_245 = arith.constant 1 : i32
      %scan3A_246 = arith.addi %scan3A_224, %scan3A_245 : i32
      %mul3A_247 = arith.constant 256 : i32
      %mul3A_248 = arith.muli %scan3A, %mul3A_247 : i32
      %mul3A_249 = arith.constant 16 : i32
      %mul3A_250 = arith.muli %scan3A_246, %mul3A_249 : i32
      %add3A_251 = arith.addi %mul3A_248, %mul3A_250 : i32
      %get3A_252 = arith.index_cast %add3A_251 : i32 to index
      %get3A_253 = tpu.vector_load %arg9[%get3A_252] {strides = array<i32>} : memref<512xf32, #tpu.memory_space<vmem>>, vector<16xf32>,
      %get3A_254 = vector.shape_cast %get3A_253 : vector<16xf32> to vector<16xf32>
      %get3A_255 = arith.index_cast %add3A_251 : i32 to index
      %get3A_256 = tpu.vector_load %arg10[%get3A_255] {strides = array<i32>} : memref<512xf32, #tpu.memory_space<vmem>>, vector<16xf32>,
      %get3A_257 = vector.shape_cast %get3A_256 : vector<16xf32> to vector<16xf32>
      %sub3A_258 = arith.subf %get3A_254, %get3A_257 : vector<16xf32>
      %neg3A_259 = arith.constant 0.000000e+00 : f32
      %neg3A_260 = vector.broadcast %neg3A_259 : f32 to vector<16xf32>
      %neg3A_261 = arith.subf %neg3A_260, %sub3A_258 : vector<16xf32>
      %exp3A_262 = math.exp %neg3A_261 : vector<16xf32>
      %add3A_263 = arith.constant 1.000000e+00 : f32
      %add3A_264 = vector.broadcast %add3A_263 : f32 to vector<16xf32>
      %add3A_265 = arith.addf %add3A_264, %exp3A_262 : vector<16xf32>
      %div3A_266 = arith.constant 1.000000e+00 : f32
      %div3A_267 = vector.broadcast %div3A_266 : f32 to vector<16xf32>
      %div3A_268 = arith.divf %div3A_267, %add3A_265 : vector<16xf32>
      %swap3A_269 = arith.index_cast %add3A_251 : i32 to index
      %swap3A_270 = tpu.vector_load %arg11[%swap3A_269] {strides = array<i32>} : memref<512xf32, #tpu.memory_space<vmem>>, vector<16xf32>,
      %swap3A_271 = vector.shape_cast %swap3A_270 : vector<16xf32> to vector<16xf32>
      %swap3A_272 = vector.shape_cast %div3A_268 : vector<16xf32> to vector<16xf32>
      tpu.vector_store %arg11[%swap3A_269], %swap3A_272 {strides = array<i32>} : memref<512xf32, #tpu.memory_space<vmem>>, vector<16xf32>,
      %scan3A_273 = arith.constant 2 : i32
      %scan3A_274 = arith.addi %scan3A_224, %scan3A_273 : i32
      %mul3A_275 = arith.constant 256 : i32
      %mul3A_276 = arith.muli %scan3A, %mul3A_275 : i32
      %mul3A_277 = arith.constant 16 : i32
      %mul3A_278 = arith.muli %scan3A_274, %mul3A_277 : i32
      %add3A_279 = arith.addi %mul3A_276, %mul3A_278 : i32
      %get3A_280 = arith.index_cast %add3A_279 : i32 to index
      %get3A_281 = tpu.vector_load %arg9[%get3A_280] {strides = array<i32>} : memref<512xf32, #tpu.memory_space<vmem>>, vector<16xf32>,
      %get3A_282 = vector.shape_cast %get3A_281 : vector<16xf32> to vector<16xf32>
      %get3A_283 = arith.index_cast %add3A_279 : i32 to index
      %get3A_284 = tpu.vector_load %arg10[%get3A_283] {strides = array<i32>} : memref<512xf32, #tpu.memory_space<vmem>>, vector<16xf32>,
      %get3A_285 = vector.shape_cast %get3A_284 : vector<16xf32> to vector<16xf32>
      %sub3A_286 = arith.subf %get3A_282, %get3A_285 : vector<16xf32>
      %neg3A_287 = arith.constant 0.000000e+00 : f32
      %neg3A_288 = vector.broadcast %neg3A_287 : f32 to vector<16xf32>
      %neg3A_289 = arith.subf %neg3A_288, %sub3A_286 : vector<16xf32>
      %exp3A_290 = math.exp %neg3A_289 : vector<16xf32>
      %add3A_291 = arith.constant 1.000000e+00 : f32
      %add3A_292 = vector.broadcast %add3A_291 : f32 to vector<16xf32>
      %add3A_293 = arith.addf %add3A_292, %exp3A_290 : vector<16xf32>
      %div3A_294 = arith.constant 1.000000e+00 : f32
      %div3A_295 = vector.broadcast %div3A_294 : f32 to vector<16xf32>
      %div3A_296 = arith.divf %div3A_295, %add3A_293 : vector<16xf32>
      %swap3A_297 = arith.index_cast %add3A_279 : i32 to index
      %swap3A_298 = tpu.vector_load %arg11[%swap3A_297] {strides = array<i32>} : memref<512xf32, #tpu.memory_space<vmem>>, vector<16xf32>,
      %swap3A_299 = vector.shape_cast %swap3A_298 : vector<16xf32> to vector<16xf32>
      %swap3A_300 = vector.shape_cast %div3A_296 : vector<16xf32> to vector<16xf32>
      tpu.vector_store %arg11[%swap3A_297], %swap3A_300 {strides = array<i32>} : memref<512xf32, #tpu.memory_space<vmem>>, vector<16xf32>,
      %scan3A_301 = arith.constant 3 : i32
      %scan3A_302 = arith.addi %scan3A_224, %scan3A_301 : i32
      %mul3A_303 = arith.constant 256 : i32
      %mul3A_304 = arith.muli %scan3A, %mul3A_303 : i32
      %mul3A_305 = arith.constant 16 : i32
      %mul3A_306 = arith.muli %scan3A_302, %mul3A_305 : i32
      %add3A_307 = arith.addi %mul3A_304, %mul3A_306 : i32
      %get3A_308 = arith.index_cast %add3A_307 : i32 to index
      %get3A_309 = tpu.vector_load %arg9[%get3A_308] {strides = array<i32>} : memref<512xf32, #tpu.memory_space<vmem>>, vector<16xf32>,
      %get3A_310 = vector.shape_cast %get3A_309 : vector<16xf32> to vector<16xf32>
      %get3A_311 = arith.index_cast %add3A_307 : i32 to index
      %get3A_312 = tpu.vector_load %arg10[%get3A_311] {strides = array<i32>} : memref<512xf32, #tpu.memory_space<vmem>>, vector<16xf32>,
      %get3A_313 = vector.shape_cast %get3A_312 : vector<16xf32> to vector<16xf32>
      %sub3A_314 = arith.subf %get3A_310, %get3A_313 : vector<16xf32>
      %neg3A_315 = arith.constant 0.000000e+00 : f32
      %neg3A_316 = vector.broadcast %neg3A_315 : f32 to vector<16xf32>
      %neg3A_317 = arith.subf %neg3A_316, %sub3A_314 : vector<16xf32>
      %exp3A_318 = math.exp %neg3A_317 : vector<16xf32>
      %add3A_319 = arith.constant 1.000000e+00 : f32
      %add3A_320 = vector.broadcast %add3A_319 : f32 to vector<16xf32>
      %add3A_321 = arith.addf %add3A_320, %exp3A_318 : vector<16xf32>
      %div3A_322 = arith.constant 1.000000e+00 : f32
      %div3A_323 = vector.broadcast %div3A_322 : f32 to vector<16xf32>
      %div3A_324 = arith.divf %div3A_323, %add3A_321 : vector<16xf32>
      %swap3A_325 = arith.index_cast %add3A_307 : i32 to index
      %swap3A_326 = tpu.vector_load %arg11[%swap3A_325] {strides = array<i32>} : memref<512xf32, #tpu.memory_space<vmem>>, vector<16xf32>,
      %swap3A_327 = vector.shape_cast %swap3A_326 : vector<16xf32> to vector<16xf32>
      %swap3A_328 = vector.shape_cast %div3A_324 : vector<16xf32> to vector<16xf32>
      tpu.vector_store %arg11[%swap3A_325], %swap3A_328 {strides = array<i32>} : memref<512xf32, #tpu.memory_space<vmem>>, vector<16xf32>,
    }
    %scan3A_163 = arith.constant 16 : i32
    %add3A_164 = arith.constant 0 : i32
    %add3A_165 = arith.addi %mul3A_2, %add3A_164 : i32
    %dma_start3A_166 = arith.constant 0 : i32
    %dma_start3A_167 = tpu.memref_slice %arg11[%dma_start3A_166] : memref<512xf32, #tpu.memory_space<vmem>> -> memref<256xf32, #tpu.memory_space<vmem>>
    %dma_start3A_168 = tpu.memref_slice %arg6[%add3A_165] : memref<16384xf32, #tpu.memory_space<hbm>> -> memref<256xf32, #tpu.memory_space<hbm>>
    %dma_start3A_169 = tpu.memref_slice %arg6[%add3A_165] : memref<16384xf32, #tpu.memory_space<hbm>> -> memref<256xf32, #tpu.memory_space<hbm>>
    %dma_start3A_170 = arith.constant 0 : i32
    %dma_start3A_171 = tpu.memref_slice %arg11[%dma_start3A_170] : memref<512xf32, #tpu.memory_space<vmem>> -> memref<256xf32, #tpu.memory_space<vmem>>
    tpu.enqueue_dma source(%dma_start3A_171 : memref<256xf32, #tpu.memory_space<vmem>>) target(%dma_start3A_169 : memref<256xf32, #tpu.memory_space<hbm>>) target_semaphore(%arg14 : memref<!tpu.dma_semaphore, #tpu.memory_space<semaphore_mem>>)
    %dma_wait3A_172 = arith.constant 0 : i32
    %dma_wait3A_173 = arith.constant 1 : i32
    %dma_wait3A_174 = arith.constant 256 : i32
    %dma_wait3A_175 = tpu.memref_slice %arg9[%dma_wait3A_174] : memref<512xf32, #tpu.memory_space<vmem>> -> memref<256xf32, #tpu.memory_space<vmem>>
    %dma_wait3A_176 = arith.constant 256 : i32
    %dma_wait3A_177 = tpu.memref_slice %arg7[%dma_wait3A_176] : memref<512xi32, #tpu.memory_space<vmem>> -> memref<256xi32, #tpu.memory_space<vmem>>
    %dma_wait3A_178 = arith.constant 0 : i32
    %dma_wait3A_179 = tpu.memref_slice %arg4[%dma_wait3A_172, %dma_wait3A_178] : memref<1x1000000xf32, #tpu.memory_space<hbm>> -> memref<1x1000000xf32, #tpu.memory_space<hbm>>
    %dma_wait3A_180 = tpu.memref_squeeze %dma_wait3A_179 : memref<1x1000000xf32, #tpu.memory_space<hbm>> -> memref<1000000xf32, #tpu.memory_space<hbm>>
    %dma_wait3A_181 = arith.constant 0 : i32
    %dma_wait3A_182 = tpu.memref_slice %dma_wait3A_180[%dma_wait3A_181] : memref<1000000xf32, #tpu.memory_space<hbm>> -> memref<1000000xf32, #tpu.memory_space<hbm>>
    %dma_wait3A_183 = tpu.memref_slice %arg15[%dma_wait3A_173] : memref<2x!tpu.dma_semaphore, #tpu.memory_space<semaphore_mem>> -> memref<1x!tpu.dma_semaphore, #tpu.memory_space<semaphore_mem>>
    %dma_wait3A_184 = tpu.memref_squeeze %dma_wait3A_183 : memref<1x!tpu.dma_semaphore, #tpu.memory_space<semaphore_mem>> -> memref<!tpu.dma_semaphore, #tpu.memory_space<semaphore_mem>>
    tpu.wait_indirect_dma semaphore(%dma_wait3A_184 : memref<!tpu.dma_semaphore, #tpu.memory_space<semaphore_mem>>) src(%dma_wait3A_182 : memref<1000000xf32, #tpu.memory_space<hbm>>) dst(%dma_wait3A_175 : memref<256xf32, #tpu.memory_space<vmem>>)
    %dma_wait3A_185 = arith.constant 0 : i32
    %dma_wait3A_186 = arith.constant 1 : i32
    %dma_wait3A_187 = arith.constant 256 : i32
    %dma_wait3A_188 = tpu.memref_slice %arg10[%dma_wait3A_187] : memref<512xf32, #tpu.memory_space<vmem>> -> memref<256xf32, #tpu.memory_space<vmem>>
    %dma_wait3A_189 = arith.constant 256 : i32
    %dma_wait3A_190 = tpu.memref_slice %arg8[%dma_wait3A_189] : memref<512xi32, #tpu.memory_space<vmem>> -> memref<256xi32, #tpu.memory_space<vmem>>
    %dma_wait3A_191 = arith.constant 0 : i32
    %dma_wait3A_192 = tpu.memref_slice %arg5[%dma_wait3A_185, %dma_wait3A_191] : memref<1x100000xf32, #tpu.memory_space<hbm>> -> memref<1x100000xf32, #tpu.memory_space<hbm>>
    %dma_wait3A_193 = tpu.memref_squeeze %dma_wait3A_192 : memref<1x100000xf32, #tpu.memory_space<hbm>> -> memref<100000xf32, #tpu.memory_space<hbm>>
    %dma_wait3A_194 = arith.constant 0 : i32
    %dma_wait3A_195 = tpu.memref_slice %dma_wait3A_193[%dma_wait3A_194] : memref<100000xf32, #tpu.memory_space<hbm>> -> memref<100000xf32, #tpu.memory_space<hbm>>
    %dma_wait3A_196 = tpu.memref_slice %arg15[%dma_wait3A_186] : memref<2x!tpu.dma_semaphore, #tpu.memory_space<semaphore_mem>> -> memref<1x!tpu.dma_semaphore, #tpu.memory_space<semaphore_mem>>
    %dma_wait3A_197 = tpu.memref_squeeze %dma_wait3A_196 : memref<1x!tpu.dma_semaphore, #tpu.memory_space<semaphore_mem>> -> memref<!tpu.dma_semaphore, #tpu.memory_space<semaphore_mem>>
    tpu.wait_indirect_dma semaphore(%dma_wait3A_197 : memref<!tpu.dma_semaphore, #tpu.memory_space<semaphore_mem>>) src(%dma_wait3A_195 : memref<100000xf32, #tpu.memory_space<hbm>>) dst(%dma_wait3A_188 : memref<256xf32, #tpu.memory_space<vmem>>)
    %scan3A_198 = arith.constant 1 : i32
    %scan3A_199 = arith.constant 0 : i32
    %scan3A_200 = arith.constant 16 : i32
    %scan3A_201 = arith.addi %scan3A_199, %scan3A_200 : i32
    %scan3A_202 = arith.constant 4 : i32
    scf.for %scan3A_224 = %scan3A_199 to %scan3A_201 step %scan3A_202  : i32 {
      %mul3A_225 = arith.constant 256 : i32
      %mul3A_226 = arith.muli %scan3A_198, %mul3A_225 : i32
      %mul3A_227 = arith.constant 16 : i32
      %mul3A_228 = arith.muli %scan3A_224, %mul3A_227 : i32
      %add3A_229 = arith.addi %mul3A_226, %mul3A_228 : i32
      %get3A = arith.index_cast %add3A_229 : i32 to index
      %get3A_230 = tpu.vector_load %arg9[%get3A] {strides = array<i32>} : memref<512xf32, #tpu.memory_space<vmem>>, vector<16xf32>,
      %get3A_231 = vector.shape_cast %get3A_230 : vector<16xf32> to vector<16xf32>
      %get3A_232 = arith.index_cast %add3A_229 : i32 to index
      %get3A_233 = tpu.vector_load %arg10[%get3A_232] {strides = array<i32>} : memref<512xf32, #tpu.memory_space<vmem>>, vector<16xf32>,
      %get3A_234 = vector.shape_cast %get3A_233 : vector<16xf32> to vector<16xf32>
      %sub3A = arith.subf %get3A_231, %get3A_234 : vector<16xf32>
      %neg3A = arith.constant 0.000000e+00 : f32
      %neg3A_235 = vector.broadcast %neg3A : f32 to vector<16xf32>
      %neg3A_236 = arith.subf %neg3A_235, %sub3A : vector<16xf32>
      %exp3A = math.exp %neg3A_236 : vector<16xf32>
      %add3A_237 = arith.constant 1.000000e+00 : f32
      %add3A_238 = vector.broadcast %add3A_237 : f32 to vector<16xf32>
      %add3A_239 = arith.addf %add3A_238, %exp3A : vector<16xf32>
      %div3A = arith.constant 1.000000e+00 : f32
      %div3A_240 = vector.broadcast %div3A : f32 to vector<16xf32>
      %div3A_241 = arith.divf %div3A_240, %add3A_239 : vector<16xf32>
      %swap3A = arith.index_cast %add3A_229 : i32 to index
      %swap3A_242 = tpu.vector_load %arg11[%swap3A] {strides = array<i32>} : memref<512xf32, #tpu.memory_space<vmem>>, vector<16xf32>,
      %swap3A_243 = vector.shape_cast %swap3A_242 : vector<16xf32> to vector<16xf32>
      %swap3A_244 = vector.shape_cast %div3A_241 : vector<16xf32> to vector<16xf32>
      tpu.vector_store %arg11[%swap3A], %swap3A_244 {strides = array<i32>} : memref<512xf32, #tpu.memory_space<vmem>>, vector<16xf32>,
      %scan3A_245 = arith.constant 1 : i32
      %scan3A_246 = arith.addi %scan3A_224, %scan3A_245 : i32
      %mul3A_247 = arith.constant 256 : i32
      %mul3A_248 = arith.muli %scan3A_198, %mul3A_247 : i32
      %mul3A_249 = arith.constant 16 : i32
      %mul3A_250 = arith.muli %scan3A_246, %mul3A_249 : i32
      %add3A_251 = arith.addi %mul3A_248, %mul3A_250 : i32
      %get3A_252 = arith.index_cast %add3A_251 : i32 to index
      %get3A_253 = tpu.vector_load %arg9[%get3A_252] {strides = array<i32>} : memref<512xf32, #tpu.memory_space<vmem>>, vector<16xf32>,
      %get3A_254 = vector.shape_cast %get3A_253 : vector<16xf32> to vector<16xf32>
      %get3A_255 = arith.index_cast %add3A_251 : i32 to index
      %get3A_256 = tpu.vector_load %arg10[%get3A_255] {strides = array<i32>} : memref<512xf32, #tpu.memory_space<vmem>>, vector<16xf32>,
      %get3A_257 = vector.shape_cast %get3A_256 : vector<16xf32> to vector<16xf32>
      %sub3A_258 = arith.subf %get3A_254, %get3A_257 : vector<16xf32>
      %neg3A_259 = arith.constant 0.000000e+00 : f32
      %neg3A_260 = vector.broadcast %neg3A_259 : f32 to vector<16xf32>
      %neg3A_261 = arith.subf %neg3A_260, %sub3A_258 : vector<16xf32>
      %exp3A_262 = math.exp %neg3A_261 : vector<16xf32>
      %add3A_263 = arith.constant 1.000000e+00 : f32
      %add3A_264 = vector.broadcast %add3A_263 : f32 to vector<16xf32>
      %add3A_265 = arith.addf %add3A_264, %exp3A_262 : vector<16xf32>
      %div3A_266 = arith.constant 1.000000e+00 : f32
      %div3A_267 = vector.broadcast %div3A_266 : f32 to vector<16xf32>
      %div3A_268 = arith.divf %div3A_267, %add3A_265 : vector<16xf32>
      %swap3A_269 = arith.index_cast %add3A_251 : i32 to index
      %swap3A_270 = tpu.vector_load %arg11[%swap3A_269] {strides = array<i32>} : memref<512xf32, #tpu.memory_space<vmem>>, vector<16xf32>,
      %swap3A_271 = vector.shape_cast %swap3A_270 : vector<16xf32> to vector<16xf32>
      %swap3A_272 = vector.shape_cast %div3A_268 : vector<16xf32> to vector<16xf32>
      tpu.vector_store %arg11[%swap3A_269], %swap3A_272 {strides = array<i32>} : memref<512xf32, #tpu.memory_space<vmem>>, vector<16xf32>,
      %scan3A_273 = arith.constant 2 : i32
      %scan3A_274 = arith.addi %scan3A_224, %scan3A_273 : i32
      %mul3A_275 = arith.constant 256 : i32
      %mul3A_276 = arith.muli %scan3A_198, %mul3A_275 : i32
      %mul3A_277 = arith.constant 16 : i32
      %mul3A_278 = arith.muli %scan3A_274, %mul3A_277 : i32
      %add3A_279 = arith.addi %mul3A_276, %mul3A_278 : i32
      %get3A_280 = arith.index_cast %add3A_279 : i32 to index
      %get3A_281 = tpu.vector_load %arg9[%get3A_280] {strides = array<i32>} : memref<512xf32, #tpu.memory_space<vmem>>, vector<16xf32>,
      %get3A_282 = vector.shape_cast %get3A_281 : vector<16xf32> to vector<16xf32>
      %get3A_283 = arith.index_cast %add3A_279 : i32 to index
      %get3A_284 = tpu.vector_load %arg10[%get3A_283] {strides = array<i32>} : memref<512xf32, #tpu.memory_space<vmem>>, vector<16xf32>,
      %get3A_285 = vector.shape_cast %get3A_284 : vector<16xf32> to vector<16xf32>
      %sub3A_286 = arith.subf %get3A_282, %get3A_285 : vector<16xf32>
      %neg3A_287 = arith.constant 0.000000e+00 : f32
      %neg3A_288 = vector.broadcast %neg3A_287 : f32 to vector<16xf32>
      %neg3A_289 = arith.subf %neg3A_288, %sub3A_286 : vector<16xf32>
      %exp3A_290 = math.exp %neg3A_289 : vector<16xf32>
      %add3A_291 = arith.constant 1.000000e+00 : f32
      %add3A_292 = vector.broadcast %add3A_291 : f32 to vector<16xf32>
      %add3A_293 = arith.addf %add3A_292, %exp3A_290 : vector<16xf32>
      %div3A_294 = arith.constant 1.000000e+00 : f32
      %div3A_295 = vector.broadcast %div3A_294 : f32 to vector<16xf32>
      %div3A_296 = arith.divf %div3A_295, %add3A_293 : vector<16xf32>
      %swap3A_297 = arith.index_cast %add3A_279 : i32 to index
      %swap3A_298 = tpu.vector_load %arg11[%swap3A_297] {strides = array<i32>} : memref<512xf32, #tpu.memory_space<vmem>>, vector<16xf32>,
      %swap3A_299 = vector.shape_cast %swap3A_298 : vector<16xf32> to vector<16xf32>
      %swap3A_300 = vector.shape_cast %div3A_296 : vector<16xf32> to vector<16xf32>
      tpu.vector_store %arg11[%swap3A_297], %swap3A_300 {strides = array<i32>} : memref<512xf32, #tpu.memory_space<vmem>>, vector<16xf32>,
      %scan3A_301 = arith.constant 3 : i32
      %scan3A_302 = arith.addi %scan3A_224, %scan3A_301 : i32
      %mul3A_303 = arith.constant 256 : i32
      %mul3A_304 = arith.muli %scan3A_198, %mul3A_303 : i32
      %mul3A_305 = arith.constant 16 : i32
      %mul3A_306 = arith.muli %scan3A_302, %mul3A_305 : i32
      %add3A_307 = arith.addi %mul3A_304, %mul3A_306 : i32
      %get3A_308 = arith.index_cast %add3A_307 : i32 to index
      %get3A_309 = tpu.vector_load %arg9[%get3A_308] {strides = array<i32>} : memref<512xf32, #tpu.memory_space<vmem>>, vector<16xf32>,
      %get3A_310 = vector.shape_cast %get3A_309 : vector<16xf32> to vector<16xf32>
      %get3A_311 = arith.index_cast %add3A_307 : i32 to index
      %get3A_312 = tpu.vector_load %arg10[%get3A_311] {strides = array<i32>} : memref<512xf32, #tpu.memory_space<vmem>>, vector<16xf32>,
      %get3A_313 = vector.shape_cast %get3A_312 : vector<16xf32> to vector<16xf32>
      %sub3A_314 = arith.subf %get3A_310, %get3A_313 : vector<16xf32>
      %neg3A_315 = arith.constant 0.000000e+00 : f32
      %neg3A_316 = vector.broadcast %neg3A_315 : f32 to vector<16xf32>
      %neg3A_317 = arith.subf %neg3A_316, %sub3A_314 : vector<16xf32>
      %exp3A_318 = math.exp %neg3A_317 : vector<16xf32>
      %add3A_319 = arith.constant 1.000000e+00 : f32
      %add3A_320 = vector.broadcast %add3A_319 : f32 to vector<16xf32>
      %add3A_321 = arith.addf %add3A_320, %exp3A_318 : vector<16xf32>
      %div3A_322 = arith.constant 1.000000e+00 : f32
      %div3A_323 = vector.broadcast %div3A_322 : f32 to vector<16xf32>
      %div3A_324 = arith.divf %div3A_323, %add3A_321 : vector<16xf32>
      %swap3A_325 = arith.index_cast %add3A_307 : i32 to index
      %swap3A_326 = tpu.vector_load %arg11[%swap3A_325] {strides = array<i32>} : memref<512xf32, #tpu.memory_space<vmem>>, vector<16xf32>,
      %swap3A_327 = vector.shape_cast %swap3A_326 : vector<16xf32> to vector<16xf32>
      %swap3A_328 = vector.shape_cast %div3A_324 : vector<16xf32> to vector<16xf32>
      tpu.vector_store %arg11[%swap3A_325], %swap3A_328 {strides = array<i32>} : memref<512xf32, #tpu.memory_space<vmem>>, vector<16xf32>,
    }
    %scan3A_203 = arith.constant 16 : i32
    %add3A_204 = arith.constant 256 : i32
    %add3A_205 = arith.addi %mul3A_2, %add3A_204 : i32
    %dma_start3A_206 = arith.constant 256 : i32
    %dma_start3A_207 = tpu.memref_slice %arg11[%dma_start3A_206] : memref<512xf32, #tpu.memory_space<vmem>> -> memref<256xf32, #tpu.memory_space<vmem>>
    %dma_start3A_208 = tpu.memref_slice %arg6[%add3A_205] : memref<16384xf32, #tpu.memory_space<hbm>> -> memref<256xf32, #tpu.memory_space<hbm>>
    %dma_start3A_209 = tpu.memref_slice %arg6[%add3A_205] : memref<16384xf32, #tpu.memory_space<hbm>> -> memref<256xf32, #tpu.memory_space<hbm>>
    %dma_start3A_210 = arith.constant 256 : i32
    %dma_start3A_211 = tpu.memref_slice %arg11[%dma_start3A_210] : memref<512xf32, #tpu.memory_space<vmem>> -> memref<256xf32, #tpu.memory_space<vmem>>
    tpu.enqueue_dma source(%dma_start3A_211 : memref<256xf32, #tpu.memory_space<vmem>>) target(%dma_start3A_209 : memref<256xf32, #tpu.memory_space<hbm>>) target_semaphore(%arg14 : memref<!tpu.dma_semaphore, #tpu.memory_space<semaphore_mem>>)
    %dma_wait3A_212 = arith.constant 0 : i32
    %dma_wait3A_213 = tpu.memref_slice %arg11[%dma_wait3A_212] : memref<512xf32, #tpu.memory_space<vmem>> -> memref<256xf32, #tpu.memory_space<vmem>>
    %dma_wait3A_214 = tpu.memref_slice %arg6[%add3A_165] : memref<16384xf32, #tpu.memory_space<hbm>> -> memref<256xf32, #tpu.memory_space<hbm>>
    %dma_wait3A_215 = tpu.memref_slice %arg6[%add3A_165] : memref<16384xf32, #tpu.memory_space<hbm>> -> memref<256xf32, #tpu.memory_space<hbm>>
    %dma_wait3A_216 = arith.constant 0 : i32
    %dma_wait3A_217 = tpu.memref_slice %arg11[%dma_wait3A_216] : memref<512xf32, #tpu.memory_space<vmem>> -> memref<256xf32, #tpu.memory_space<vmem>>
    tpu.wait_dma2 semaphore(%arg14 : memref<!tpu.dma_semaphore, #tpu.memory_space<semaphore_mem>>) src(%dma_wait3A_217 : memref<256xf32, #tpu.memory_space<vmem>>) dst(%dma_wait3A_215 : memref<256xf32, #tpu.memory_space<hbm>>)
    %dma_wait3A_218 = arith.constant 256 : i32
    %dma_wait3A_219 = tpu.memref_slice %arg11[%dma_wait3A_218] : memref<512xf32, #tpu.memory_space<vmem>> -> memref<256xf32, #tpu.memory_space<vmem>>
    %dma_wait3A_220 = tpu.memref_slice %arg6[%add3A_205] : memref<16384xf32, #tpu.memory_space<hbm>> -> memref<256xf32, #tpu.memory_space<hbm>>
    %dma_wait3A_221 = tpu.memref_slice %arg6[%add3A_205] : memref<16384xf32, #tpu.memory_space<hbm>> -> memref<256xf32, #tpu.memory_space<hbm>>
    %dma_wait3A_222 = arith.constant 256 : i32
    %dma_wait3A_223 = tpu.memref_slice %arg11[%dma_wait3A_222] : memref<512xf32, #tpu.memory_space<vmem>> -> memref<256xf32, #tpu.memory_space<vmem>>
    tpu.wait_dma2 semaphore(%arg14 : memref<!tpu.dma_semaphore, #tpu.memory_space<semaphore_mem>>) src(%dma_wait3A_223 : memref<256xf32, #tpu.memory_space<vmem>>) dst(%dma_wait3A_221 : memref<256xf32, #tpu.memory_space<hbm>>)
    return
  }
}

</mosaic_0001>

<sc_bundles>
// kernel: kernel.3.cloned.1.call-start
scs
__scs_entry_jumppad:
0x0: {  	(pc) =	sbr.rel $0x88, $3  }
0x1: {  	(tag) =	ssettag $0x0;
	lr =	simm.s32 $0x1  }
0x2: {  	[smem:$0x3F9D] =	sst lr;
	_ =	strace $0xD0000000  }
0x3: {  	_ = 	snop  }
0x4: {  	_ = 	snop  }
0x5: {  	_ = 	snop  }
0x6: {  	_ = 	snop  }
0x7: {  	_ = 	snop  }
__scs_overlays_trampoline_lowered:
0x8: {  	[smem:$0x3FAC] =	sst s0  }
0x9: {  	[smem:$0x3FAD] =	sst s1  }
0xa: {  	[smem:$0x3FAE] =	sst s2  }
0xb: {  	[smem:$0x3FAF] =	sst s3  }
0xc: {  	[smem:$0x3FB0] =	sst s4  }
0xd: {  	[smem:$0x3FB1] =	sst s5  }
0xe: {  	[smem:$0x3FB2] =	sst s6  }
0xf: {  	[smem:$0x3FB3] =	sst s7  }
0x10: {  	[smem:$0x3FB4] =	sst s8  }
0x11: {  	[smem:$0x3FB5] =	sst s9;
	s0 =	simm.s32 @!p0 $0x0  }
0x12: {  	s1 =	sld [smem:$0x3F9B];
	s0 =	simm.s32 @p0 $0x1  }
0x13: {  	[smem:$0x3FB6] =	sst s0;
	s0 =	simm.s32 @!p1 $0x0  }
0x14: {  	s2 =	sld [smem:$0x3F9A];
	s0 =	simm.s32 @p1 $0x1  }
0x15: {  	[smem:$0x3FB7] =	sst s0;
	s0 =	simm.s32 @!p2 $0x0  }
0x16: {  	s3 =	sld [smem:$0x3FDB];
	s0 =	simm.s32 @p2 $0x1  }
0x17: {  	s4 =	simm.s32 $0x1BF5;
	[smem:$0x3FB9] =	sst s0  }
0x18: {  	s0 =	sld [smem:$0x3F9C];
	_ =	swait.ge [sflag:s4], $0x0  }
0x19: {  	s7 =	sld [smem:$0x3F9D]  }
0x1a: {  	s8 =	sadd.s32 $0xFFFFE003, lr  }
0x1b: {  	s9 =	sadd.s32 $0xFFFFFEF7, lr;
	s5 =	simm.s32 $0xFFFFFFFF;
	p2 =	slt.u32 s8, $0xFFFFF086  }
0x1c: {  	p1 =	slt.u32 s9, $0xF7A;
	s5 =	simm.s32 @!p2 $0x0  }
0x1d: {  	s5 =	simm.s32 @p1 $0x1;
	p0 =	seq.s32 s7, s2  }
0x1e: {  	s7 =	smul.u32 @!p0 $0xF7A, s2;
	p2 =	seq.s32 @!p0 s5, $0x0  }
0x1f: {  	s9 =	smul.u32 $0xF7A, s1;
	s8 =	simm.s32 @!p0 $0x1BF5;
	p2 =	por !p2, p0  }
0x20: {  	[sflag:s8] =	ssyncset.s32 @!p0 $0xFFFFF086;
	s6 =	sadd.s32 @!p0 s3, s7;
	s7 =	simm.s32 @!p0 $0x108  }
0x21: {  	s3 =	sadd.s32 s3, s9;
	s6 =	sadd.s32 @!p0 $0x88, s6;
	s7 =	simm.s32 @p2 $0x1082  }
0x22: {  	[simem:s7], [sflag:s8] =	dma.local @!p0 [hbm:s6], $0xF7A  }
0x23: {  	s9 =	sor.u32 $0xD0000000, s2;
	s6 =	simm.s32 $0x108;
	_ =	swait.ge @!p0 [sflag:s8], $0x0  }
0x24: {  	s3 =	sadd.s32 $0x88, s3;
	s6 =	simm.s32 @!p1 $0x1082;
	[sflag:s4] =	ssyncset.s32 $0xFFFFF086  }
0x25: {  	[simem:s6], [sflag:s4] =	dma.local [hbm:s3], $0xF7A  }
0x26: {  	[smem:$0x3F9D] =	sst s1;
	(tag) =	ssettag s2;
	_ =	strace s9  }
0x27: {  	s1 =	sld [smem:$0x3FAD]  }
0x28: {  	s2 =	sld [smem:$0x3FAE]  }
0x29: {  	s4 =	sld [smem:$0x3FB0]  }
0x2a: {  	p0 =	seq.s32 s5, $0x0;
	s5 =	sld [smem:$0x3FB1]  }
0x2b: {  	s6 =	sld [smem:$0x3FB2]  }
0x2c: {  	s7 =	sld [smem:$0x3FB3]  }
0x2d: {  	s3 =	simm.s32 $0x108;
	s8 =	sld [smem:$0x3FB4]  }
0x2e: {  	s3 =	simm.s32 @!p0 $0x1082;
	s9 =	sld [smem:$0x3FB5]  }
0x2f: {  	lr =	sadd.s32 s0, s3;
	s0 =	sld [smem:$0x3FAC]  }
0x30: {  	s3 =	sld [smem:$0x3FAF]  }
0x31: {  	[smem:$0x3FB8] =	sst s10  }
0x32: {  	s10 =	sld [smem:$0x3FB6];
	_ =	sdelay $0x3  }
0x33: {  	p0 =	seq.s32 s10, $0x1;
	s10 =	sld [smem:$0x3FB8];
	_ =	sdelay $0x3  }
0x34: {  	[smem:$0x3FB8] =	sst s10  }
0x35: {  	s10 =	sld [smem:$0x3FB7];
	_ =	sdelay $0x3  }
0x36: {  	p1 =	seq.s32 s10, $0x1;
	s10 =	sld [smem:$0x3FB8];
	_ =	sdelay $0x3  }
0x37: {  	[smem:$0x3FB8] =	sst s10  }
0x38: {  	s10 =	sld [smem:$0x3FB9]  }
0x39: {  	_ = 	snop;
	(pc) =	sbr.ind lr, $3  }
0x3a: {  	_ = 	snop  }
0x3b: {  	_ = 	snop  }
0x3c: {  	p2 =	seq.s32 s10, $0x1;
	s10 =	sld [smem:$0x3FB8]  }
0x3d: {  	_ =	shalt  }
0x3e: {  	_ =	shalt  }
0x3f: {  	_ =	shalt  }
0x40: {  	_ =	shalt  }
0x41: {  	_ =	shalt  }
0x42: {  	_ =	shalt  }
0x43: {  	_ =	shalt  }
0x44: {  	_ =	shalt  }
0x45: {  	_ =	shalt  }
0x46: {  	_ =	shalt  }
0x47: {  	_ =	shalt  }
0x48: {  	_ =	shalt  }
0x49: {  	_ =	shalt  }
0x4a: {  	_ =	shalt  }
0x4b: {  	_ =	shalt  }
0x4c: {  	_ =	shalt  }
0x4d: {  	_ =	shalt  }
0x4e: {  	_ =	shalt  }
0x4f: {  	_ =	shalt  }
0x50: {  	_ =	shalt  }
0x51: {  	_ =	shalt  }
0x52: {  	_ =	shalt  }
0x53: {  	_ =	shalt  }
0x54: {  	_ =	shalt  }
0x55: {  	_ =	shalt  }
0x56: {  	_ =	shalt  }
0x57: {  	_ =	shalt  }
0x58: {  	_ =	shalt  }
0x59: {  	_ =	shalt  }
0x5a: {  	_ =	shalt  }
0x5b: {  	_ =	shalt  }
0x5c: {  	_ =	shalt  }
0x5d: {  	_ =	shalt  }
0x5e: {  	_ =	shalt  }
0x5f: {  	_ =	shalt  }
0x60: {  	_ =	shalt  }
0x61: {  	_ =	shalt  }
0x62: {  	_ =	shalt  }
0x63: {  	_ =	shalt  }
0x64: {  	_ =	shalt  }
0x65: {  	_ =	shalt  }
0x66: {  	_ =	shalt  }
0x67: {  	_ =	shalt  }
0x68: {  	_ =	shalt  }
0x69: {  	_ =	shalt  }
0x6a: {  	_ =	shalt  }
0x6b: {  	_ =	shalt  }
0x6c: {  	_ =	shalt  }
0x6d: {  	_ =	shalt  }
0x6e: {  	_ =	shalt  }
0x6f: {  	_ =	shalt  }
0x70: {  	_ =	shalt  }
0x71: {  	_ =	shalt  }
0x72: {  	_ =	shalt  }
0x73: {  	_ =	shalt  }
0x74: {  	_ =	shalt  }
0x75: {  	_ =	shalt  }
0x76: {  	_ =	shalt  }
0x77: {  	_ =	shalt  }
0x78: {  	_ =	shalt  }
0x79: {  	_ =	shalt  }
0x7a: {  	_ =	shalt  }
0x7b: {  	_ =	shalt  }
0x7c: {  	_ =	shalt  }
0x7d: {  	_ =	shalt  }
0x7e: {  	_ =	shalt  }
0x7f: {  	_ =	shalt  }
0x80: {  	_ =	shalt  }
0x81: {  	_ =	shalt  }
0x82: {  	_ =	shalt  }
0x83: {  	_ =	shalt  }
0x84: {  	_ =	shalt  }
0x85: {  	_ =	shalt  }
0x86: {  	_ =	shalt  }
0x87: {  	_ =	shalt  }
.Lfunc_end0:
.L_simem_size_0:
called_computation_lowered:
.L_overlay_start_0:
0x88: {  	s2 =	sld [smem:$0x3FD9]  }
0x89: {  	s3 =	sld [smem:$0x3FFE];
	_ =	sdelay $0x1  }
0x8a: {  	s1 =	srdreg.scid  }
0x8b: {  	s0 =	sand.u32 $0x1, s1  }
0x8c: {  	s18 =	sshll.u32 s0, $0xA;
	s2 =	sadd.s32 s3, s2  }
0x8d: {  	s2 =	sadd.s32 s2, s18  }
0x8e: {  	[smem:$0x3FC4] =	sst s2  }
0x8f: {  	_ = 	snop  }
0x90: {  	s2 =	sld [smem:$0x3FC9]  }
0x91: {  	s19 =	sld [smem:$0x3FC8]  }
0x92: {  	s4 =	sld [smem:$0x3FC7]  }
0x93: {  	s5 =	sld [smem:$0x3FC6]  }
0x94: {  	s6 =	sld [smem:$0x3FD0];
	(tm) =	ssettm $0x1  }
0x95: {  	s7 =	sld [smem:$0x3FFB];
	_ =	sdelay $0x3  }
0x96: {  	_ =	strace s7  }
0x97: {  	s7 =	sld [smem:$0x3FFC];
	_ =	sdelay $0x3  }
0x98: {  	_ =	strace s7  }
0x99: {  	s7 =	sld [smem:$0x3FFD];
	_ =	sdelay $0x3  }
0x9a: {  	_ =	strace s7  }
0x9b: {  	_ =	strace $0x8FFFFFFF  }
0x9c: {  	s20 =	sld [smem:$0x3FDB];
	_ =	sdelay $0x1  }
0x9d: {  	s8 =	simm.s32 $_scs_section_size  }
0x9e: {  	s9 =	simm.s32 $_size__tile_overlayer_lowered;
	s10 =	simm.s32 $_tile_overlayer_lowered  }
0x9f: {  	s23 =	simm.s32 $0x1BFF;
	s22 =	sshll.u32 s10, $0x1;
	s7 =	sadd.s32 s8, s20  }
0xa0: {  	s11 =	simm.s32 $0x0;
	s21 =	sshll.u32 s9, $0x1;
	s9 =	sadd.s32 s22, s7  }
0xa1: {  	[timem:s11], [sflag:s23] =	dma.local [hbm:s9], s21  }
0xa2: {  	_ =	swait.ge [sflag:s23], s21  }
0xa3: {  	s8 =	ssub.s32 $0x0, s21;
	[sflag:s23] =	ssyncset.done $0x0  }
0xa4: {  	[sflag:s23] =	ssyncadd.s32 s8;
	_ =	sdelay $0x1  }
0xa5: {  	s24 =	simm.s32 $0x1B8B  }
0xa6: {  	_ =	swait.ge [sflag:s24], $0x1  }
0xa7: {  	[sflag:s24] =	ssyncset.done $0x0  }
0xa8: {  	s25 =	simm.s32 $0x1B8E;
	[sflag:s24] =	ssyncadd.s32 $0xFFFFFFFF  }
0xa9: {  	s26 =	simm.s32 $execute0_lowered;
	[smem:$0x3FD2] =	sst s25  }
0xaa: {  	s8 =	sshll.u32 s26, $0x1;
	_ =	strace $0x80000046;
	[dreg:$0x1] =	wrdreg $0xFFFFFFFF  }
0xab: {  	s28 =	simm.s32 $_size_execute0_lowered;
	s7 =	sadd.s32 s7, s8;
	[dreg:$0x0] =	wrdreg $0x0  }
0xac: {  	s8 =	sshll.u32 s28, $0x1;
	[dreg:$0x2] =	wrdreg s7  }
0xad: {  	[dreg:$0x3] =	wrdreg s8  }
0xae: {  	[dreg:$0x4] =	wrdreg $0xC0  }
0xaf: {  	_ =	task [dreg:s11], $0x5FFFF  }
0xb0: {  	[dreg:$0x1] =	wrdreg $0xFFFFFFFF  }
0xb1: {  	[dreg:$0x0] =	wrdreg $0x60  }
0xb2: {  	[dreg:$0x2] =	wrdreg s2  }
0xb3: {  	[dreg:$0x3] =	wrdreg s19  }
0xb4: {  	[dreg:$0x4] =	wrdreg s4  }
0xb5: {  	[dreg:$0x5] =	wrdreg s5  }
0xb6: {  	[dreg:$0x6] =	wrdreg s6  }
0xb7: {  	[dreg:$0x7] =	wrdreg $0x9  }
0xb8: {  	_ =	task.clear_ibuf [dreg:s11], $0x8FFFF;
	_ =	strace $0x90000046  }
0xb9: {  	s29 =	simm.s32 $0x9;
	_ =	strace $0x80000048  }
0xba: {  	_ =	swait.ge [sflag:s29], $0x1  }
0xbb: {  	[sflag:s29] =	ssyncadd.s32 $0xFFFFFFFF  }
0xbc: {  	_ =	strace $0x90000048  }
0xbd: {  	_ =	sfence  }
0xbe: {  	s30 =	sld [smem:$0x0];
	_ =	sdelay $0x2  }
0xbf: {  	s31 =	sshll.u32 s1, $0xD;
	s1 =	sshrl.u32 s1, $0x2  }
0xc0: {  	s3 =	sand.u32 $0x4000, s31;
	s1 =	sadd.s32 s1, s30  }
0xc1: {  	s0 =	sor.u32 s3, s0;
	s1 =	sshll.u32 s1, $0x11  }
0xc2: {  	s0 =	sor.u32 s1, s0  }
0xc3: {  	s0 =	sadd.s32 $0x8F2B, s0  }
0xc4: {  	[sflag:s0] =	ssyncadd.remote.s32 $0x1  }
0xc5: {  	_ =	sfence.sel $0xFFFF  }
0xc6: {  	[dreg:$0x0] =	wrdreg $0xFFFFFFFF;
	(pc) =	sbr.abs _section_cstart, $3  }
0xc7: {  	[dreg:$0x1] =	wrdreg $0xFFFFFFFF  }
0xc8: {  	_ =	task.clear_ibuf [dreg:s11], $0x2FFFF;
	_ =	strace $0x9FFFFFFF  }
0xc9: {  	(tm) =	ssettm $0x7FFFFFFF  }
tec
execute0_lowered:
.L_overlay_start_1:
0x0: {  	(tag) =	ssettag $0x1  }
0x1: {  	s7 =	rddreg [dreg:$0x0]  }
0x2: {  	s8 =	rddreg [dreg:$0x1]  }
0x3: {  	s1 =	rddreg [dreg:$0x2]  }
0x4: {  	s2 =	rddreg [dreg:$0x3]  }
0x5: {  	s10 =	rddreg [dreg:$0x4];
	s3 =	srdreg.scid  }
0x6: {  	s0 =	rddreg [dreg:$0x5];
	s4 =	simm.s32 $0x0;
	s13 =	simm.s32 $0x100  }
0x7: {  	s14 =	simm.s32 $0x300;
	s15 =	simm.s32 $0x1;
	s16 =	simm.s32 $0x400  }
0x8: {  	s17 =	simm.s32 $0x3;
	s18 =	simm.s32 $0x600;
	s19 =	simm.s32 $0x2  }
0x9: {  	s20 =	simm.s32 $0x500;
	s21 =	simm.s32 $0x4;
	s22 =	simm.s32 $0x700  }
0xa: {  	s23 =	simm.s32 $0x6;
	s24 =	simm.s32 $0x800;
	s25 =	simm.s32 $0x7  }
0xb: {  	s26 =	simm.s32 $0x900;
	s28 =	simm.s32 $0x5;
	s5 =	sand.u32 $0x1, s3  }
0xc: {  	[smem:$0x7FF] =	sst s4;
	s3 =	stileid.u32;
	s6 =	ssub.s32 $0x2, s5  }
0xd: {  	s11 =	sshll.u32 s3, $0x7;
	s5 =	sshll.u32 s5, $0x6;
	s9 =	sshrl.u32 s6, $0x1  }
0xe: {  	_ =	strace $0x80000047;
	s31 =	sor.u32 s5, s11;
	s12 =	ssub.s32 s6, s9  }
0xf: {  	s5 =	sadd.s32 s7, s31;
	s6 =	sadd.s32 s8, s31;
	s11 =	sor.u32 $0x20, s31  }
0x10: {  	s9 =	sadd.s32 s10, s31;
	s7 =	sadd.s32 s7, s11;
	s8 =	sadd.s32 s8, s11  }
0x11: {  	s10 =	sadd.s32 s10, s11;
	s11 =	smax.u32 s12, $0x1;
	s12 =	simm.s32 $0x200  }
.LBB2_1:
0x12: {  	[tilespmem:s4], [sflag:$0x1] =	stream.linear.gather [hbm4b:s5+s4], $0x100, $0x38;
	[tilespmem:$0xA00] =	vst v63  }
0x13: {  	_ = 	snop  }
0x14: {  	[tilespmem:s12], [sflag:$0x3] =	stream.linear.gather [hbm4b:s6+s4], $0x100, $0x38;
	[tilespmem:$0xA00] =	vst v63  }
0x15: {  	_ = 	snop  }
0x16: {  	[tilespmem:s13], [sflag:$0x2] =	stream.linear.gather [hbm4b:s7+s4], $0x100, $0x38;
	[tilespmem:$0xA00] =	vst v63  }
0x17: {  	_ = 	snop  }
0x18: {  	[tilespmem:s14], [sflag:$0x4] =	stream.linear.gather [hbm4b:s8+s4], $0x100, $0x38;
	[tilespmem:$0xA00] =	vst v63  }
0x19: {  	_ =	swait.ge [sflag:s15], $0x100  }
0x1a: {  	[sflag:s15] =	ssyncset.done $0x0  }
0x1b: {  	[sflag:s15] =	ssyncadd.s32 $0xFFFFFF00  }
0x1c: {  	[tilespmem:s16], [sflag:$0x6] =	stream.indirect.gather [hbm4b:s1+s13], $0x1, s4, s13, $0xb8;
	[tilespmem:$0xA00] =	vst v63  }
0x1d: {  	_ =	swait.ge [sflag:s17], $0x100  }
0x1e: {  	[sflag:s17] =	ssyncset.done $0x0  }
0x1f: {  	[sflag:s17] =	ssyncadd.s32 $0xFFFFFF00  }
0x20: {  	[tilespmem:s18], [sflag:$0x6] =	stream.indirect.gather [hbm4b:s2+s13], $0x1, s12, s13, $0xb8;
	[tilespmem:$0xA00] =	vst v63  }
0x21: {  	_ =	swait.ge [sflag:s19], $0x100  }
0x22: {  	[sflag:s19] =	ssyncset.done $0x0  }
0x23: {  	[sflag:s19] =	ssyncadd.s32 $0xFFFFFF00  }
0x24: {  	[tilespmem:s20], [sflag:$0x7] =	stream.indirect.gather [hbm4b:s1+s13], $0x1, s13, s13, $0xb8;
	[tilespmem:$0xA00] =	vst v63  }
0x25: {  	_ =	swait.ge [sflag:s21], $0x100  }
0x26: {  	[sflag:s21] =	ssyncset.done $0x0  }
0x27: {  	[sflag:s21] =	ssyncadd.s32 $0xFFFFFF00  }
0x28: {  	[tilespmem:s22], [sflag:$0x7] =	stream.indirect.gather [hbm4b:s2+s13], $0x1, s14, s13, $0xb8;
	[tilespmem:$0xA00] =	vst v63  }
0x29: {  	_ =	swait.ge [sflag:s23], $0x100  }
0x2a: {  	[sflag:s23] =	ssyncset.done $0x0  }
0x2b: {  	[sflag:s23] =	ssyncadd.s32 $0xFFFFFF00  }
0x2c: {  	_ =	swait.ge [sflag:s23], $0x100  }
0x2d: {  	[sflag:s23] =	ssyncset.done $0x0  }
0x2e: {  	[sflag:s23] =	ssyncadd.s32 $0xFFFFFF00  }
0x2f: {  	v0 =	vld [tilespmem:$0x400]  }
0x30: {  	v1 =	vld [tilespmem:$0x600];
	_ =	sdelay $0x4  }
0x31: {  	v0 =	vsub.f32 v1, v0;
	_ =	sdelay $0x1  }
0x32: {  	v0 =	vadd.f32 $0.0e+00, v0;
	_ =	sdelay $0x1  }
0x33: {  	v0 =	vmul.f32 $1.442695020e+00, v0;
	_ =	sdelay $0x1  }
0x34: {  	(erf) = vpow2.f32 v0  }
0x35: {  	v49 =	vld [tilespmem:$0x410]  }
0x36: {  	v50 =	vld [tilespmem:$0x610];
	_ =	sdelay $0x4  }
0x37: {  	v0 =	vsub.f32 v50, v49;
	_ =	sdelay $0x1  }
0x38: {  	v0 =	vadd.f32 $0.0e+00, v0;
	v51 =	vpop (erf)  }
0x39: {  	v1 =	vadd.f32 $1.000000000e+00, v51  }
0x3a: {  	v0 =	vmul.f32 $1.442695020e+00, v0  }
0x3b: {  	(erf) = vrcp.f32 v1  }
0x3c: {  	(erf) = vpow2.f32 v0  }
0x3d: {  	v52 =	vld [tilespmem:$0x420]  }
0x3e: {  	v53 =	vld [tilespmem:$0x620];
	_ =	sdelay $0x4  }
0x3f: {  	v1 =	vsub.f32 v53, v52  }
0x40: {  	v54 =	vpop (erf)  }
0x41: {  	v1 =	vadd.f32 $0.0e+00, v1;
	v2 =	vpop (erf)  }
0x42: {  	v2 =	vadd.f32 $1.000000000e+00, v2  }
0x43: {  	v1 =	vmul.f32 $1.442695020e+00, v1  }
0x44: {  	(erf) = vrcp.f32 v2  }
0x45: {  	(erf) = vpow2.f32 v1  }
0x46: {  	v55 =	vld [tilespmem:$0x430]  }
0x47: {  	v56 =	vld [tilespmem:$0x630];
	_ =	sdelay $0x4  }
0x48: {  	v1 =	vsub.f32 v56, v55  }
0x49: {  	v57 =	vpop (erf)  }
0x4a: {  	v1 =	vadd.f32 $0.0e+00, v1;
	v3 =	vpop (erf)  }
0x4b: {  	v3 =	vadd.f32 $1.000000000e+00, v3  }
0x4c: {  	v1 =	vmul.f32 $1.442695020e+00, v1  }
0x4d: {  	(erf) = vrcp.f32 v3  }
0x4e: {  	(erf) = vpow2.f32 v1  }
0x4f: {  	v58 =	vld [tilespmem:$0x440]  }
0x50: {  	v59 =	vld [tilespmem:$0x640];
	_ =	sdelay $0x4  }
0x51: {  	v1 =	vsub.f32 v59, v58  }
0x52: {  	v60 =	vpop (erf)  }
0x53: {  	v1 =	vadd.f32 $0.0e+00, v1;
	v4 =	vpop (erf)  }
0x54: {  	v4 =	vadd.f32 $1.000000000e+00, v4  }
0x55: {  	v1 =	vmul.f32 $1.442695020e+00, v1  }
0x56: {  	(erf) = vrcp.f32 v4  }
0x57: {  	(erf) = vpow2.f32 v1  }
0x58: {  	v61 =	vld [tilespmem:$0x450]  }
0x59: {  	v62 =	vld [tilespmem:$0x650];
	_ =	sdelay $0x4  }
0x5a: {  	v1 =	vsub.f32 v62, v61  }
0x5b: {  	v63 =	vpop (erf)  }
0x5c: {  	v1 =	vadd.f32 $0.0e+00, v1;
	v5 =	vpop (erf)  }
0x5d: {  	v5 =	vadd.f32 $1.000000000e+00, v5  }
0x5e: {  	v1 =	vmul.f32 $1.442695020e+00, v1  }
0x5f: {  	(erf) = vrcp.f32 v5  }
0x60: {  	(erf) = vpow2.f32 v1  }
0x61: {  	v18 =	vld [tilespmem:$0x460]  }
0x62: {  	v19 =	vld [tilespmem:$0x660];
	_ =	sdelay $0x4  }
0x63: {  	v1 =	vsub.f32 v19, v18  }
0x64: {  	v20 =	vpop (erf)  }
0x65: {  	v1 =	vadd.f32 $0.0e+00, v1;
	v6 =	vpop (erf)  }
0x66: {  	v6 =	vadd.f32 $1.000000000e+00, v6  }
0x67: {  	v1 =	vmul.f32 $1.442695020e+00, v1  }
0x68: {  	(erf) = vrcp.f32 v6  }
0x69: {  	(erf) = vpow2.f32 v1  }
0x6a: {  	v21 =	vld [tilespmem:$0x470]  }
0x6b: {  	v22 =	vld [tilespmem:$0x670];
	_ =	sdelay $0x4  }
0x6c: {  	v1 =	vsub.f32 v22, v21  }
0x6d: {  	v23 =	vpop (erf)  }
0x6e: {  	v1 =	vadd.f32 $0.0e+00, v1;
	v7 =	vpop (erf)  }
0x6f: {  	v7 =	vadd.f32 $1.000000000e+00, v7  }
0x70: {  	v1 =	vmul.f32 $1.442695020e+00, v1  }
0x71: {  	(erf) = vrcp.f32 v7  }
0x72: {  	(erf) = vpow2.f32 v1  }
0x73: {  	v24 =	vld [tilespmem:$0x480]  }
0x74: {  	v25 =	vld [tilespmem:$0x680];
	_ =	sdelay $0x4  }
0x75: {  	v1 =	vsub.f32 v25, v24  }
0x76: {  	v26 =	vpop (erf)  }
0x77: {  	v1 =	vadd.f32 $0.0e+00, v1;
	v8 =	vpop (erf)  }
0x78: {  	v8 =	vadd.f32 $1.000000000e+00, v8  }
0x79: {  	v1 =	vmul.f32 $1.442695020e+00, v1  }
0x7a: {  	(erf) = vrcp.f32 v8  }
0x7b: {  	(erf) = vpow2.f32 v1  }
0x7c: {  	v27 =	vld [tilespmem:$0x490]  }
0x7d: {  	v28 =	vld [tilespmem:$0x690];
	_ =	sdelay $0x4  }
0x7e: {  	v1 =	vsub.f32 v28, v27  }
0x7f: {  	v29 =	vpop (erf)  }
0x80: {  	v1 =	vadd.f32 $0.0e+00, v1;
	v9 =	vpop (erf)  }
0x81: {  	v9 =	vadd.f32 $1.000000000e+00, v9  }
0x82: {  	v1 =	vmul.f32 $1.442695020e+00, v1  }
0x83: {  	(erf) = vrcp.f32 v9  }
0x84: {  	(erf) = vpow2.f32 v1  }
0x85: {  	v30 =	vld [tilespmem:$0x4A0]  }
0x86: {  	v31 =	vld [tilespmem:$0x6A0];
	_ =	sdelay $0x4  }
0x87: {  	v1 =	vsub.f32 v31, v30  }
0x88: {  	v32 =	vpop (erf)  }
0x89: {  	v1 =	vadd.f32 $0.0e+00, v1;
	v10 =	vpop (erf)  }
0x8a: {  	v10 =	vadd.f32 $1.000000000e+00, v10  }
0x8b: {  	v1 =	vmul.f32 $1.442695020e+00, v1  }
0x8c: {  	(erf) = vrcp.f32 v10  }
0x8d: {  	(erf) = vpow2.f32 v1  }
0x8e: {  	v33 =	vld [tilespmem:$0x4B0]  }
0x8f: {  	v34 =	vld [tilespmem:$0x6B0];
	_ =	sdelay $0x4  }
0x90: {  	v1 =	vsub.f32 v34, v33  }
0x91: {  	v35 =	vpop (erf)  }
0x92: {  	v1 =	vadd.f32 $0.0e+00, v1;
	v11 =	vpop (erf)  }
0x93: {  	v11 =	vadd.f32 $1.000000000e+00, v11  }
0x94: {  	v1 =	vmul.f32 $1.442695020e+00, v1  }
0x95: {  	(erf) = vrcp.f32 v11  }
0x96: {  	(erf) = vpow2.f32 v1  }
0x97: {  	v36 =	vld [tilespmem:$0x4C0]  }
0x98: {  	v37 =	vld [tilespmem:$0x6C0];
	_ =	sdelay $0x4  }
0x99: {  	v1 =	vsub.f32 v37, v36  }
0x9a: {  	v38 =	vpop (erf)  }
0x9b: {  	v1 =	vadd.f32 $0.0e+00, v1;
	v12 =	vpop (erf)  }
0x9c: {  	v12 =	vadd.f32 $1.000000000e+00, v12  }
0x9d: {  	v1 =	vmul.f32 $1.442695020e+00, v1  }
0x9e: {  	(erf) = vrcp.f32 v12  }
0x9f: {  	(erf) = vpow2.f32 v1  }
0xa0: {  	v39 =	vld [tilespmem:$0x4D0]  }
0xa1: {  	v40 =	vld [tilespmem:$0x6D0];
	_ =	sdelay $0x4  }
0xa2: {  	v1 =	vsub.f32 v40, v39  }
0xa3: {  	v41 =	vpop (erf)  }
0xa4: {  	v1 =	vadd.f32 $0.0e+00, v1;
	v13 =	vpop (erf)  }
0xa5: {  	v13 =	vadd.f32 $1.000000000e+00, v13  }
0xa6: {  	v1 =	vmul.f32 $1.442695020e+00, v1  }
0xa7: {  	(erf) = vrcp.f32 v13  }
0xa8: {  	(erf) = vpow2.f32 v1  }
0xa9: {  	v42 =	vld [tilespmem:$0x4E0]  }
0xaa: {  	v43 =	vld [tilespmem:$0x6E0];
	_ =	sdelay $0x4  }
0xab: {  	v1 =	vsub.f32 v43, v42  }
0xac: {  	v44 =	vpop (erf)  }
0xad: {  	v1 =	vadd.f32 $0.0e+00, v1;
	v14 =	vpop (erf)  }
0xae: {  	v14 =	vadd.f32 $1.000000000e+00, v14  }
0xaf: {  	v1 =	vmul.f32 $1.442695020e+00, v1  }
0xb0: {  	(erf) = vrcp.f32 v14  }
0xb1: {  	(erf) = vpow2.f32 v1  }
0xb2: {  	v45 =	vld [tilespmem:$0x4F0]  }
0xb3: {  	v46 =	vld [tilespmem:$0x6F0];
	_ =	sdelay $0x4  }
0xb4: {  	v1 =	vsub.f32 v46, v45  }
0xb5: {  	v47 =	vpop (erf)  }
0xb6: {  	v1 =	vadd.f32 $0.0e+00, v1;
	v15 =	vpop (erf)  }
0xb7: {  	v15 =	vadd.f32 $1.000000000e+00, v15  }
0xb8: {  	v1 =	vmul.f32 $1.442695020e+00, v1  }
0xb9: {  	(erf) = vrcp.f32 v15  }
0xba: {  	(erf) = vpow2.f32 v1;
	_ =	sdelay $0x6  }
0xbb: {  	[tilespmem:$0x800] =	vst v54  }
0xbc: {  	[tilespmem:$0x810] =	vst v57;
	v48 =	vpop (erf)  }
0xbd: {  	[tilespmem:$0x820] =	vst v60;
	v1 =	vpop (erf)  }
0xbe: {  	[tilespmem:$0x830] =	vst v63;
	v1 =	vadd.f32 $1.000000000e+00, v1  }
0xbf: {  	[tilespmem:$0x840] =	vst v20  }
0xc0: {  	[tilespmem:$0x850] =	vst v23;
	(erf) = vrcp.f32 v1  }
0xc1: {  	[tilespmem:$0x860] =	vst v26  }
0xc2: {  	[tilespmem:$0x870] =	vst v29  }
0xc3: {  	[tilespmem:$0x880] =	vst v32  }
0xc4: {  	[tilespmem:$0x890] =	vst v35  }
0xc5: {  	[tilespmem:$0x8A0] =	vst v38  }
0xc6: {  	[tilespmem:$0x8B0] =	vst v41  }
0xc7: {  	[tilespmem:$0x8C0] =	vst v44  }
0xc8: {  	[tilespmem:$0x8D0] =	vst v47  }
0xc9: {  	[tilespmem:$0x8E0] =	vst v48;
	v49 =	vpop (erf)  }
0xca: {  	[tilespmem:$0x8F0] =	vst v49  }
0xcb: {  	[hbm4b:s9+s4] =	stream.linear.scatter [tilespmem:s24], [sflag:$0x5], $0x100, $0x38;
	[tilespmem:$0xA00] =	vst v63  }
0xcc: {  	_ =	swait.ge [sflag:s25], $0x100  }
0xcd: {  	[sflag:s25] =	ssyncset.done $0x0  }
0xce: {  	[sflag:s25] =	ssyncadd.s32 $0xFFFFFF00  }
0xcf: {  	_ =	swait.ge [sflag:s25], $0x100  }
0xd0: {  	[sflag:s25] =	ssyncset.done $0x0  }
0xd1: {  	[sflag:s25] =	ssyncadd.s32 $0xFFFFFF00  }
0xd2: {  	v50 =	vld [tilespmem:$0x500]  }
0xd3: {  	v51 =	vld [tilespmem:$0x700];
	_ =	sdelay $0x4  }
0xd4: {  	v0 =	vsub.f32 v51, v50;
	_ =	sdelay $0x1  }
0xd5: {  	v0 =	vadd.f32 $0.0e+00, v0;
	_ =	sdelay $0x1  }
0xd6: {  	v0 =	vmul.f32 $1.442695020e+00, v0;
	_ =	sdelay $0x1  }
0xd7: {  	(erf) = vpow2.f32 v0  }
0xd8: {  	v52 =	vld [tilespmem:$0x510]  }
0xd9: {  	v53 =	vld [tilespmem:$0x710];
	_ =	sdelay $0x4  }
0xda: {  	v0 =	vsub.f32 v53, v52;
	_ =	sdelay $0x1  }
0xdb: {  	v0 =	vadd.f32 $0.0e+00, v0;
	v54 =	vpop (erf)  }
0xdc: {  	v1 =	vadd.f32 $1.000000000e+00, v54  }
0xdd: {  	v0 =	vmul.f32 $1.442695020e+00, v0  }
0xde: {  	(erf) = vrcp.f32 v1  }
0xdf: {  	(erf) = vpow2.f32 v0  }
0xe0: {  	v55 =	vld [tilespmem:$0x520]  }
0xe1: {  	v56 =	vld [tilespmem:$0x720];
	_ =	sdelay $0x4  }
0xe2: {  	v1 =	vsub.f32 v56, v55  }
0xe3: {  	v0 =	vpop (erf)  }
0xe4: {  	v1 =	vadd.f32 $0.0e+00, v1;
	v57 =	vpop (erf)  }
0xe5: {  	v2 =	vadd.f32 $1.000000000e+00, v57  }
0xe6: {  	v1 =	vmul.f32 $1.442695020e+00, v1  }
0xe7: {  	(erf) = vrcp.f32 v2  }
0xe8: {  	(erf) = vpow2.f32 v1  }
0xe9: {  	v58 =	vld [tilespmem:$0x530]  }
0xea: {  	v59 =	vld [tilespmem:$0x730];
	_ =	sdelay $0x4  }
0xeb: {  	v2 =	vsub.f32 v59, v58  }
0xec: {  	v1 =	vpop (erf)  }
0xed: {  	v2 =	vadd.f32 $0.0e+00, v2;
	v60 =	vpop (erf)  }
0xee: {  	v3 =	vadd.f32 $1.000000000e+00, v60  }
0xef: {  	v2 =	vmul.f32 $1.442695020e+00, v2  }
0xf0: {  	(erf) = vrcp.f32 v3  }
0xf1: {  	(erf) = vpow2.f32 v2  }
0xf2: {  	v61 =	vld [tilespmem:$0x540]  }
0xf3: {  	v62 =	vld [tilespmem:$0x740];
	_ =	sdelay $0x4  }
0xf4: {  	v2 =	vsub.f32 v62, v61  }
0xf5: {  	v63 =	vpop (erf)  }
0xf6: {  	v2 =	vadd.f32 $0.0e+00, v2;
	v16 =	vpop (erf)  }
0xf7: {  	v4 =	vadd.f32 $1.000000000e+00, v16  }
0xf8: {  	v2 =	vmul.f32 $1.442695020e+00, v2  }
0xf9: {  	(erf) = vrcp.f32 v4  }
0xfa: {  	(erf) = vpow2.f32 v2  }
0xfb: {  	v17 =	vld [tilespmem:$0x550]  }
0xfc: {  	v18 =	vld [tilespmem:$0x750];
	_ =	sdelay $0x4  }
0xfd: {  	v2 =	vsub.f32 v18, v17  }
0xfe: {  	v19 =	vpop (erf)  }
0xff: {  	v2 =	vadd.f32 $0.0e+00, v2;
	v20 =	vpop (erf)  }
0x100: {  	v5 =	vadd.f32 $1.000000000e+00, v20  }
0x101: {  	v2 =	vmul.f32 $1.442695020e+00, v2  }
0x102: {  	(erf) = vrcp.f32 v5  }
0x103: {  	(erf) = vpow2.f32 v2  }
0x104: {  	v21 =	vld [tilespmem:$0x560]  }
0x105: {  	v22 =	vld [tilespmem:$0x760];
	_ =	sdelay $0x4  }
0x106: {  	v2 =	vsub.f32 v22, v21  }
0x107: {  	v23 =	vpop (erf)  }
0x108: {  	v2 =	vadd.f32 $0.0e+00, v2;
	v24 =	vpop (erf)  }
0x109: {  	v6 =	vadd.f32 $1.000000000e+00, v24  }
0x10a: {  	v2 =	vmul.f32 $1.442695020e+00, v2  }
0x10b: {  	(erf) = vrcp.f32 v6  }
0x10c: {  	(erf) = vpow2.f32 v2  }
0x10d: {  	v25 =	vld [tilespmem:$0x570]  }
0x10e: {  	v26 =	vld [tilespmem:$0x770];
	_ =	sdelay $0x4  }
0x10f: {  	v2 =	vsub.f32 v26, v25  }
0x110: {  	v27 =	vpop (erf)  }
0x111: {  	v2 =	vadd.f32 $0.0e+00, v2;
	v28 =	vpop (erf)  }
0x112: {  	v7 =	vadd.f32 $1.000000000e+00, v28  }
0x113: {  	v2 =	vmul.f32 $1.442695020e+00, v2  }
0x114: {  	(erf) = vrcp.f32 v7  }
0x115: {  	(erf) = vpow2.f32 v2  }
0x116: {  	v29 =	vld [tilespmem:$0x580]  }
0x117: {  	v30 =	vld [tilespmem:$0x780];
	_ =	sdelay $0x4  }
0x118: {  	v2 =	vsub.f32 v30, v29  }
0x119: {  	v31 =	vpop (erf)  }
0x11a: {  	v2 =	vadd.f32 $0.0e+00, v2;
	v32 =	vpop (erf)  }
0x11b: {  	v8 =	vadd.f32 $1.000000000e+00, v32  }
0x11c: {  	v2 =	vmul.f32 $1.442695020e+00, v2  }
0x11d: {  	(erf) = vrcp.f32 v8  }
0x11e: {  	(erf) = vpow2.f32 v2  }
0x11f: {  	v33 =	vld [tilespmem:$0x590]  }
0x120: {  	v34 =	vld [tilespmem:$0x790];
	_ =	sdelay $0x4  }
0x121: {  	v2 =	vsub.f32 v34, v33  }
0x122: {  	v35 =	vpop (erf)  }
0x123: {  	v2 =	vadd.f32 $0.0e+00, v2;
	v36 =	vpop (erf)  }
0x124: {  	v9 =	vadd.f32 $1.000000000e+00, v36  }
0x125: {  	v2 =	vmul.f32 $1.442695020e+00, v2  }
0x126: {  	(erf) = vrcp.f32 v9  }
0x127: {  	(erf) = vpow2.f32 v2  }
0x128: {  	v37 =	vld [tilespmem:$0x5A0]  }
0x129: {  	v38 =	vld [tilespmem:$0x7A0];
	_ =	sdelay $0x4  }
0x12a: {  	v2 =	vsub.f32 v38, v37  }
0x12b: {  	v39 =	vpop (erf)  }
0x12c: {  	v2 =	vadd.f32 $0.0e+00, v2;
	v40 =	vpop (erf)  }
0x12d: {  	v10 =	vadd.f32 $1.000000000e+00, v40  }
0x12e: {  	v2 =	vmul.f32 $1.442695020e+00, v2  }
0x12f: {  	(erf) = vrcp.f32 v10  }
0x130: {  	(erf) = vpow2.f32 v2  }
0x131: {  	v41 =	vld [tilespmem:$0x5B0]  }
0x132: {  	v42 =	vld [tilespmem:$0x7B0];
	_ =	sdelay $0x4  }
0x133: {  	v2 =	vsub.f32 v42, v41  }
0x134: {  	v43 =	vpop (erf)  }
0x135: {  	v2 =	vadd.f32 $0.0e+00, v2;
	v44 =	vpop (erf)  }
0x136: {  	v11 =	vadd.f32 $1.000000000e+00, v44  }
0x137: {  	v2 =	vmul.f32 $1.442695020e+00, v2  }
0x138: {  	(erf) = vrcp.f32 v11  }
0x139: {  	(erf) = vpow2.f32 v2  }
0x13a: {  	v45 =	vld [tilespmem:$0x5C0]  }
0x13b: {  	v46 =	vld [tilespmem:$0x7C0];
	_ =	sdelay $0x4  }
0x13c: {  	v2 =	vsub.f32 v46, v45  }
0x13d: {  	v47 =	vpop (erf)  }
0x13e: {  	v2 =	vadd.f32 $0.0e+00, v2;
	v48 =	vpop (erf)  }
0x13f: {  	v12 =	vadd.f32 $1.000000000e+00, v48  }
0x140: {  	v2 =	vmul.f32 $1.442695020e+00, v2  }
0x141: {  	(erf) = vrcp.f32 v12  }
0x142: {  	(erf) = vpow2.f32 v2  }
0x143: {  	v49 =	vld [tilespmem:$0x5D0]  }
0x144: {  	v50 =	vld [tilespmem:$0x7D0];
	_ =	sdelay $0x4  }
0x145: {  	v2 =	vsub.f32 v50, v49  }
0x146: {  	v51 =	vpop (erf)  }
0x147: {  	v2 =	vadd.f32 $0.0e+00, v2;
	v52 =	vpop (erf)  }
0x148: {  	v13 =	vadd.f32 $1.000000000e+00, v52  }
0x149: {  	v2 =	vmul.f32 $1.442695020e+00, v2  }
0x14a: {  	(erf) = vrcp.f32 v13  }
0x14b: {  	(erf) = vpow2.f32 v2  }
0x14c: {  	v53 =	vld [tilespmem:$0x5E0]  }
0x14d: {  	v54 =	vld [tilespmem:$0x7E0];
	_ =	sdelay $0x4  }
0x14e: {  	v2 =	vsub.f32 v54, v53  }
0x14f: {  	v55 =	vpop (erf)  }
0x150: {  	v2 =	vadd.f32 $0.0e+00, v2;
	v56 =	vpop (erf)  }
0x151: {  	v14 =	vadd.f32 $1.000000000e+00, v56  }
0x152: {  	v2 =	vmul.f32 $1.442695020e+00, v2  }
0x153: {  	(erf) = vrcp.f32 v14  }
0x154: {  	(erf) = vpow2.f32 v2  }
0x155: {  	v57 =	vld [tilespmem:$0x5F0]  }
0x156: {  	v58 =	vld [tilespmem:$0x7F0];
	_ =	sdelay $0x4  }
0x157: {  	v2 =	vsub.f32 v58, v57  }
0x158: {  	v59 =	vpop (erf)  }
0x159: {  	v2 =	vadd.f32 $0.0e+00, v2;
	v60 =	vpop (erf)  }
0x15a: {  	v15 =	vadd.f32 $1.000000000e+00, v60  }
0x15b: {  	v2 =	vmul.f32 $1.442695020e+00, v2  }
0x15c: {  	(erf) = vrcp.f32 v15  }
0x15d: {  	(erf) = vpow2.f32 v2;
	_ =	sdelay $0x6  }
0x15e: {  	[tilespmem:$0x900] =	vst v0  }
0x15f: {  	[tilespmem:$0x910] =	vst v1;
	v61 =	vpop (erf)  }
0x160: {  	[tilespmem:$0x920] =	vst v63;
	v62 =	vpop (erf)  }
0x161: {  	[tilespmem:$0x930] =	vst v19;
	v1 =	vadd.f32 $1.000000000e+00, v62  }
0x162: {  	[tilespmem:$0x940] =	vst v23  }
0x163: {  	[tilespmem:$0x950] =	vst v27;
	(erf) = vrcp.f32 v1  }
0x164: {  	[tilespmem:$0x960] =	vst v31  }
0x165: {  	[tilespmem:$0x970] =	vst v35  }
0x166: {  	[tilespmem:$0x980] =	vst v39  }
0x167: {  	[tilespmem:$0x990] =	vst v43  }
0x168: {  	[tilespmem:$0x9A0] =	vst v47  }
0x169: {  	[tilespmem:$0x9B0] =	vst v51  }
0x16a: {  	[tilespmem:$0x9C0] =	vst v55  }
0x16b: {  	[tilespmem:$0x9D0] =	vst v59  }
0x16c: {  	[tilespmem:$0x9E0] =	vst v61;
	v63 =	vpop (erf)  }
0x16d: {  	[tilespmem:$0x9F0] =	vst v63  }
0x16e: {  	[hbm4b:s10+s4] =	stream.linear.scatter [tilespmem:s26], [sflag:$0x5], $0x100, $0x38;
	[tilespmem:$0xA00] =	vst v63  }
0x16f: {  	p0 =	sne.s32 s11, $0x1;
	_ =	swait.ge [sflag:s28], $0x100  }
.Ltmp0:
0x170: {  	[sflag:s28] =	ssyncset.done $0x0;
	(pc) =	sbr.rel @p0 .LBB2_1-.Ltmp0, $4  }
0x171: {  	[sflag:s28] =	ssyncadd.s32 $0xFFFFFF00  }
0x172: {  	_ =	swait.ge [sflag:s28], $0x100  }
0x173: {  	[sflag:s28] =	ssyncset.done $0x0  }
0x174: {  	s11 =	sadd.s32 $0xFFFFFFFF, s11;
	[sflag:s28] =	ssyncadd.s32 $0xFFFFFF00  }
0x175: {  	_ =	sfence.sel $0x180000  }
0x176: {  	[bflag:$0x0] =	sbarrier.arrive $0xFFFF  }
0x177: {  	p0 =	sne.s32 s3, $0x0;
	_ =	strace $0x90000047  }
0x178: {  	s0 =	sadd.s32 @!p0 $0x100000, s0;
	[bflag:$0x2] =	sbarrier.arrive $0xFFFF  }
0x179: {  	[sflag:s0] =	ssyncadd.tile.s32 @!p0 $0x1;
	_ =	shalt  }
.Lfunc_end2:
_tile_overlayer_lowered:
.L_overlay_start_2:
0x17a: {  	(tag) =	ssettag $0x2  }
0x17b: {  	s0 =	rddreg [dreg:$0x0];
	s2 =	stileid.u32  }
0x17c: {  	s1 =	rddreg [dreg:$0x1];
	p0 =	sne.s32 s2, $0x0  }
0x17d: {  	s3 =	rddreg [dreg:$0x2];
	[bflag:$0x3] =	sbarrier.arrive $0xFFFF;
	s2 =	simm.s32 @!p0 $0x1C08  }
0x17e: {  	[timem:s3], [sflag:s2] =	dma.local @!p0 [hbm:s0], s1  }
0x17f: {  	s0 =	simm.s32 @!p0 $0x8  }
0x180: {  	_ =	swait.ge @!p0 [sflag:s0], s1  }
0x181: {  	s1 =	ssub.s32 @!p0 $0x0, s1;
	[sflag:s0] =	ssyncset.done @!p0 $0x0  }
0x182: {  	[sflag:s0] =	ssyncadd.s32 @!p0 s1  }
0x183: {  	[bflag:$0x3] =	sbarrier.arrive $0xFFFF  }
0x184: {  	_ =	shalt  }

</sc_bundles>
